<compile_context>
chip_gen: v7x
topology: tpu7x:2x2x1
jax: 0.10.2.dev20260603
libtpu: 0.0.44.dev20260713+nightly
codegen_flags: <defaults>
</compile_context>

<pallas_src>
import functools

import jax
import jax.numpy as jnp
from jax import lax
from jax.experimental import pallas as pl
from jax.experimental.pallas import tpu as pltpu
from jax.experimental.pallas import tpu_sc as plsc

N_NODES = 10000
F = 128
NPAD = 10240
PAD_NODE = N_NODES
DEG_W = 128
CHUNK = 128
NC = 2
NS = 16
NW = NC * NS
ROWS_PER_TILE = NPAD // NS

_mesh = plsc.VectorSubcoreMesh(core_axis_name="c", subcore_axis_name="s")



def _sc_degree(dst_pad, ones_hbm, zeros_hbm, chunks_per_worker):

    @functools.partial(
        pl.kernel,
        out_type=jax.ShapeDtypeStruct((NC * NPAD, DEG_W), jnp.float32),
        mesh=_mesh,
        scratch_types=[
            pltpu.VMEM((CHUNK,), jnp.int32),
            pltpu.VMEM((CHUNK,), jnp.int32),
            pltpu.VMEM((CHUNK, DEG_W), jnp.float32),
            pltpu.VMEM_SHARED((NPAD, DEG_W), jnp.float32),
            pltpu.SemaphoreType.DMA,
            pltpu.SemaphoreType.DMA,
        ],
    )
    def deg_kernel(dst_hbm, ones_ref, zeros_ref, out_hbm, dst_va, dst_vb,
                   ones_v, acc_sh, sema, semb):
        c = lax.axis_index("c")
        s = lax.axis_index("s")
        r0 = s * ROWS_PER_TILE
        pltpu.sync_copy(zeros_ref.at[pl.ds(r0, ROWS_PER_TILE)],
                        acc_sh.at[pl.ds(r0, ROWS_PER_TILE)])
        pltpu.sync_copy(ones_ref, ones_v)
        plsc.subcore_barrier()
        wid = c * NS + s

        npairs = chunks_per_worker // 2
        base0 = wid * chunks_per_worker * CHUNK
        pltpu.sync_copy(dst_hbm.at[pl.ds(base0, CHUNK)], dst_va)

        @pl.loop(0, npairs)
        def _(j):
            base = (wid * chunks_per_worker + 2 * j) * CHUNK
            ha = pltpu.async_copy(ones_v, acc_sh.at[dst_va], sema, add=True)
            pltpu.sync_copy(dst_hbm.at[pl.ds(base + CHUNK, CHUNK)], dst_vb)
            hb = pltpu.async_copy(ones_v, acc_sh.at[dst_vb], semb, add=True)
            ha.wait()

            @pl.when(j + 1 < npairs)
            def _():
                pltpu.sync_copy(dst_hbm.at[pl.ds(base + 2 * CHUNK, CHUNK)],
                                dst_va)

            hb.wait()

        if chunks_per_worker % 2:
            tail = (wid * chunks_per_worker + chunks_per_worker - 1) * CHUNK
            pltpu.sync_copy(dst_hbm.at[pl.ds(tail, CHUNK)], dst_va)
            pltpu.sync_copy(ones_v, acc_sh.at[dst_va], add=True)

        plsc.subcore_barrier()
        pltpu.sync_copy(acc_sh.at[pl.ds(r0, ROWS_PER_TILE)],
                        out_hbm.at[pl.ds(c * NPAD + r0, ROWS_PER_TILE)])

    return deg_kernel(dst_pad, ones_hbm, zeros_hbm)


def _sc_aggregate(y, src_pad, dst_pad, zeros_hbm, chunks_per_worker):

    @functools.partial(
        pl.kernel,
        out_type=jax.ShapeDtypeStruct((NC * NPAD, F), jnp.float32),
        mesh=_mesh,
        scratch_types=[
            pltpu.VMEM((CHUNK,), jnp.int32),
            pltpu.VMEM((CHUNK,), jnp.int32),
            pltpu.VMEM((CHUNK,), jnp.int32),
            pltpu.VMEM((CHUNK,), jnp.int32),
            pltpu.VMEM((CHUNK, F), jnp.float32),
            pltpu.VMEM((CHUNK, F), jnp.float32),
            pltpu.VMEM_SHARED((NPAD, F), jnp.float32),
            pltpu.SemaphoreType.DMA,
            pltpu.SemaphoreType.DMA,
            pltpu.SemaphoreType.DMA,
            pltpu.SemaphoreType.DMA,
        ],
    )
    def agg_kernel(y_hbm, src_hbm, dst_hbm, zeros_ref, out_hbm,
                   src_va, dst_va, src_vb, dst_vb, buf_a, buf_b, acc_sh,
                   gsem_a, gsem_b, ssem_a, ssem_b):
        c = lax.axis_index("c")
        s = lax.axis_index("s")
        r0 = s * ROWS_PER_TILE
        pltpu.sync_copy(zeros_ref.at[pl.ds(r0, ROWS_PER_TILE)],
                        acc_sh.at[pl.ds(r0, ROWS_PER_TILE)])
        plsc.subcore_barrier()
        wid = c * NS + s

        npairs = chunks_per_worker // 2
        base0 = wid * chunks_per_worker * CHUNK
        pltpu.sync_copy(src_hbm.at[pl.ds(base0, CHUNK)], src_va)
        pltpu.sync_copy(dst_hbm.at[pl.ds(base0, CHUNK)], dst_va)

        @pl.loop(0, npairs)
        def _(j):
            base = (wid * chunks_per_worker + 2 * j) * CHUNK
            ga = pltpu.async_copy(y_hbm.at[src_va], buf_a, gsem_a)
            pltpu.sync_copy(src_hbm.at[pl.ds(base + CHUNK, CHUNK)], src_vb)
            pltpu.sync_copy(dst_hbm.at[pl.ds(base + CHUNK, CHUNK)], dst_vb)
            gb = pltpu.async_copy(y_hbm.at[src_vb], buf_b, gsem_b)
            ga.wait()
            ha = pltpu.async_copy(buf_a, acc_sh.at[dst_va], ssem_a, add=True)

            @pl.when(j + 1 < npairs)
            def _():
                pltpu.sync_copy(src_hbm.at[pl.ds(base + 2 * CHUNK, CHUNK)],
                                src_va)

            gb.wait()
            ha.wait()
            hb = pltpu.async_copy(buf_b, acc_sh.at[dst_vb], ssem_b, add=True)

            @pl.when(j + 1 < npairs)
            def _():
                pltpu.sync_copy(dst_hbm.at[pl.ds(base + 2 * CHUNK, CHUNK)],
                                dst_va)

            hb.wait()

        if chunks_per_worker % 2:
            tail = (wid * chunks_per_worker + chunks_per_worker - 1) * CHUNK
            pltpu.sync_copy(src_hbm.at[pl.ds(tail, CHUNK)], src_va)
            pltpu.sync_copy(dst_hbm.at[pl.ds(tail, CHUNK)], dst_va)
            pltpu.async_copy(y_hbm.at[src_va], buf_a, gsem_a).wait()
            pltpu.sync_copy(buf_a, acc_sh.at[dst_va], add=True)

        plsc.subcore_barrier()
        pltpu.sync_copy(acc_sh.at[pl.ds(r0, ROWS_PER_TILE)],
                        out_hbm.at[pl.ds(c * NPAD + r0, ROWS_PER_TILE)])

    return agg_kernel(y, src_pad, dst_pad, zeros_hbm)



R = 1024
GRID = NPAD // R


def _dinv_of(deg_blk):
    return lax.rsqrt(deg_blk[0, :, 0:1] + deg_blk[1, :, 0:1] + 1.0)


def _tc_first(x_pad, W1, degs):

    def body(x_ref, w_ref, deg_ref, y_ref):
        dinv = _dinv_of(deg_ref[...])
        y = lax.dot_general(x_ref[...], w_ref[...], (((1,), (0,)), ((), ())),
                            precision=lax.Precision.HIGHEST,
                            preferred_element_type=jnp.float32)
        y_ref[...] = y * dinv

    return pl.pallas_call(
        body,
        grid=(GRID,),
        in_specs=[
            pl.BlockSpec((R, F), lambda i: (i, 0)),
            pl.BlockSpec((F, F), lambda i: (0, 0)),
            pl.BlockSpec((NC, R, DEG_W), lambda i: (0, i, 0)),
        ],
        out_specs=pl.BlockSpec((R, F), lambda i: (i, 0)),
        out_shape=jax.ShapeDtypeStruct((NPAD, F), jnp.float32),
    )(x_pad, W1, degs)


def _tc_middle(agg1, y1, degs, W2, b1):

    def body(a_ref, y1_ref, deg_ref, w_ref, b_ref, y2_ref):
        dinv = _dinv_of(deg_ref[...])
        a = a_ref[...]
        pre = dinv * (a[0] + a[1] + y1_ref[...]) + b_ref[...]
        h = jnp.maximum(pre, 0.0)
        y2 = lax.dot_general(h, w_ref[...], (((1,), (0,)), ((), ())),
                             precision=lax.Precision.HIGHEST,
                             preferred_element_type=jnp.float32)
        y2_ref[...] = y2 * dinv

    return pl.pallas_call(
        body,
        grid=(GRID,),
        in_specs=[
            pl.BlockSpec((NC, R, F), lambda i: (0, i, 0)),
            pl.BlockSpec((R, F), lambda i: (i, 0)),
            pl.BlockSpec((NC, R, DEG_W), lambda i: (0, i, 0)),
            pl.BlockSpec((F, F), lambda i: (0, 0)),
            pl.BlockSpec((1, F), lambda i: (0, 0)),
        ],
        out_specs=pl.BlockSpec((R, F), lambda i: (i, 0)),
        out_shape=jax.ShapeDtypeStruct((NPAD, F), jnp.float32),
    )(agg1, y1, degs, W2, b1)


def _tc_last(agg2, y2, degs, b2):

    def body(a_ref, y2_ref, deg_ref, b_ref, o_ref):
        dinv = _dinv_of(deg_ref[...])
        a = a_ref[...]
        pre = dinv * (a[0] + a[1] + y2_ref[...]) + b_ref[...]
        o_ref[...] = jax.nn.sigmoid(pre)

    return pl.pallas_call(
        body,
        grid=(GRID,),
        in_specs=[
            pl.BlockSpec((NC, R, F), lambda i: (0, i, 0)),
            pl.BlockSpec((R, F), lambda i: (i, 0)),
            pl.BlockSpec((NC, R, DEG_W), lambda i: (0, i, 0)),
            pl.BlockSpec((1, F), lambda i: (0, 0)),
        ],
        out_specs=pl.BlockSpec((R, F), lambda i: (i, 0)),
        out_shape=jax.ShapeDtypeStruct((NPAD, F), jnp.float32),
    )(agg2, y2, degs, b2)




def kernel(x, edge_index, W1, b1, W2, b2):
    src = edge_index[0].astype(jnp.int32)
    dst = edge_index[1].astype(jnp.int32)
    n_edges = src.shape[0]
    total_chunks = -(-n_edges // CHUNK)
    total_chunks = -(-total_chunks // NW) * NW
    e_pad = total_chunks * CHUNK - n_edges
    cpw = total_chunks // NW
    src_pad = jnp.concatenate([src, jnp.full((e_pad,), PAD_NODE, jnp.int32)])
    dst_pad = jnp.concatenate([dst, jnp.full((e_pad,), PAD_NODE, jnp.int32)])

    x_pad = jnp.pad(x, ((0, NPAD - x.shape[0]), (0, 0)))
    ones_hbm = jnp.ones((CHUNK, DEG_W), jnp.float32)
    zeros_deg = jnp.zeros((NPAD, DEG_W), jnp.float32)
    zeros_f = jnp.zeros((NPAD, F), jnp.float32)

    degs = _sc_degree(dst_pad, ones_hbm, zeros_deg, cpw).reshape(NC, NPAD, DEG_W)
    y1 = _tc_first(x_pad, W1, degs)
    agg1 = _sc_aggregate(y1, src_pad, dst_pad, zeros_f, cpw).reshape(NC, NPAD, F)
    y2 = _tc_middle(agg1, y1, degs, W2, b1.reshape(1, F))
    agg2 = _sc_aggregate(y2, src_pad, dst_pad, zeros_f, cpw).reshape(NC, NPAD, F)
    out = _tc_last(agg2, y2, degs, b2.reshape(1, F))
    return out[:N_NODES]

# --- scband reference (transcript-rebuilt; emitter-appended) ---
"""Pipeline reference for scband-gcn-47047071760480 (READ-ONLY COPY).

The authoritative reference and input builder live on the scoring server;
editing this copy changes nothing except your own understanding.
"""

import jax, jax.numpy as jnp
import numpy as np

N = 10000
E = 320000
F_IN = 128
HID = 128


def gcn_conv(x, edge_index, W, b, num_nodes):
    # x' = D^{-1/2} (A + I) D^{-1/2} x W + b  (PyG GCNConv semantics)
    x = x @ W
    src = edge_index[0]
    dst = edge_index[1]
    loop = jnp.arange(num_nodes, dtype=src.dtype)
    src = jnp.concatenate([src, loop])
    dst = jnp.concatenate([dst, loop])
    deg = jnp.zeros((num_nodes,), dtype=x.dtype).at[dst].add(1.0)
    dinv = jnp.where(deg > 0, deg ** -0.5, 0.0)
    norm = dinv[src] * dinv[dst]
    msg = x[src] * norm[:, None]
    out = jnp.zeros((num_nodes, x.shape[1]), dtype=x.dtype).at[dst].add(msg)
    return out + b


def setup_inputs(seed: int = 0) -> dict:
    key = jax.random.key(seed)
    k1, k2, k3, k4 = jax.random.split(key, 4)
    x = jax.random.normal(k1, (N, F_IN), dtype=jnp.float32)
    edge_index = jax.random.randint(k2, (2, E), 0, N)
    W1 = jax.random.normal(k3, (F_IN, HID), dtype=jnp.float32) * (1.0 / np.sqrt(F_IN))
    b1 = jnp.zeros((HID,), dtype=jnp.float32)
    W2 = jax.random.normal(k4, (HID, F_IN), dtype=jnp.float32) * (1.0 / np.sqrt(HID))
    b2 = jnp.zeros((F_IN,), dtype=jnp.float32)
    return {"x": x, "edge_index": edge_index, "W1": W1, "b1": b1, "W2": W2, "b2": b2}


def reference(x, edge_index, W1, b1, W2, b2):
    h = gcn_conv(x, edge_index, W1, b1, N)
    h = jax.nn.relu(h)
    # F.dropout with training=False (inference) is identity
    h = gcn_conv(h, edge_index, W2, b2, N)
    return jax.nn.sigmoid(h)

if __name__ == "__main__":
    import jax
    _d = setup_inputs()
    print(jax.jit(kernel)(*tuple(_d.values())))

</pallas_src>

<mosaic_0001>
#map = affine_map<(d0, d1) -> (0, 0)>
#map1 = affine_map<(d0, d1) -> (0)>
module attributes {stable_mosaic.version = 14 : i64} {
  func.func @agg_kernel(%arg0: i32, %arg1: i32, %arg2: memref<10240x128xf32, #tpu.memory_space<hbm>>, %arg3: memref<323584xi32, #tpu.memory_space<hbm>>, %arg4: memref<323584xi32, #tpu.memory_space<hbm>>, %arg5: memref<10240x128xf32, #tpu.memory_space<hbm>>, %arg6: memref<20480x128xf32, #tpu.memory_space<hbm>>, %arg7: memref<128xi32, #tpu.memory_space<vmem>>, %arg8: memref<128xi32, #tpu.memory_space<vmem>>, %arg9: memref<128xi32, #tpu.memory_space<vmem>>, %arg10: memref<128xi32, #tpu.memory_space<vmem>>, %arg11: memref<128x128xf32, #tpu.memory_space<vmem>>, %arg12: memref<128x128xf32, #tpu.memory_space<vmem>>, %arg13: memref<10240x128xf32, #tpu.memory_space<vmem_shared>>, %arg14: memref<!tpu.dma_semaphore, #tpu.memory_space<semaphore_mem>>, %arg15: memref<!tpu.dma_semaphore, #tpu.memory_space<semaphore_mem>>, %arg16: memref<!tpu.dma_semaphore, #tpu.memory_space<semaphore_mem>>, %arg17: memref<!tpu.dma_semaphore, #tpu.memory_space<semaphore_mem>>) attributes {dimension_semantics = [#tpu.dimension_semantics<core_parallel>, #tpu.dimension_semantics<subcore_parallel>], iteration_bounds = array<i64: 2, 16>, scalar_prefetch = 0 : i64, scratch_operands = 11 : i64, tpu.core_type = #tpu.core_type<sc_vector_subcore>, window_params = [{transform_indices = #map}, {transform_indices = #map1}, {transform_indices = #map1}, {transform_indices = #map}, {transform_indices = #map}]} {
    %mul3A = arith.constant 640 : i32
    %mul3A_0 = arith.muli %arg1, %mul3A : i32
    "tpu.region"() ({
      %run_scoped3A = tpu.sem_alloc : memref<!tpu.dma_semaphore, #tpu.memory_space<semaphore_mem>>
      %dma_start3A_26 = arith.constant 0 : i32
      %dma_start3A_27 = tpu.memref_slice %arg13[%mul3A_0, %dma_start3A_26] : memref<10240x128xf32, #tpu.memory_space<vmem_shared>> -> memref<640x128xf32, #tpu.memory_space<vmem_shared>>
      %dma_start3A_28 = arith.constant 0 : i32
      %dma_start3A_29 = tpu.memref_slice %arg5[%mul3A_0, %dma_start3A_28] : memref<10240x128xf32, #tpu.memory_space<hbm>> -> memref<640x128xf32, #tpu.memory_space<hbm>>
      tpu.enqueue_dma source(%dma_start3A_29 : memref<640x128xf32, #tpu.memory_space<hbm>>) target(%dma_start3A_27 : memref<640x128xf32, #tpu.memory_space<vmem_shared>>) target_semaphore(%run_scoped3A : memref<!tpu.dma_semaphore, #tpu.memory_space<semaphore_mem>>)
      %dma_wait3A_30 = arith.constant 0 : i32
      %dma_wait3A_31 = tpu.memref_slice %arg13[%mul3A_0, %dma_wait3A_30] : memref<10240x128xf32, #tpu.memory_space<vmem_shared>> -> memref<640x128xf32, #tpu.memory_space<vmem_shared>>
      %dma_wait3A_32 = arith.constant 0 : i32
      %dma_wait3A_33 = tpu.memref_slice %arg5[%mul3A_0, %dma_wait3A_32] : memref<10240x128xf32, #tpu.memory_space<hbm>> -> memref<640x128xf32, #tpu.memory_space<hbm>>
      tpu.wait_dma2 semaphore(%run_scoped3A : memref<!tpu.dma_semaphore, #tpu.memory_space<semaphore_mem>>) src(%dma_wait3A_33 : memref<640x128xf32, #tpu.memory_space<hbm>>) dst(%dma_wait3A_31 : memref<640x128xf32, #tpu.memory_space<vmem_shared>>)
      tpu.yield
    }) : () -> ()
    %barrier3A = arith.constant 0 : index
    tpu.barrier barrier_id(%barrier3A)
    %mul3A_1 = arith.constant 16 : i32
    %mul3A_2 = arith.muli %arg0, %mul3A_1 : i32
    %add3A = arith.addi %mul3A_2, %arg1 : i32
    %mul3A_3 = arith.constant 79 : i32
    %mul3A_4 = arith.muli %add3A, %mul3A_3 : i32
    %mul3A_5 = arith.constant 128 : i32
    %mul3A_6 = arith.muli %mul3A_4, %mul3A_5 : i32
    "tpu.region"() ({
      %run_scoped3A = tpu.sem_alloc : memref<!tpu.dma_semaphore, #tpu.memory_space<semaphore_mem>>
      %dma_start3A_26 = tpu.memref_slice %arg3[%mul3A_6] : memref<323584xi32, #tpu.memory_space<hbm>> -> memref<128xi32, #tpu.memory_space<hbm>>
      %dma_start3A_27 = tpu.memref_slice %arg3[%mul3A_6] : memref<323584xi32, #tpu.memory_space<hbm>> -> memref<128xi32, #tpu.memory_space<hbm>>
      tpu.enqueue_dma source(%dma_start3A_27 : memref<128xi32, #tpu.memory_space<hbm>>) target(%arg7 : memref<128xi32, #tpu.memory_space<vmem>>) target_semaphore(%run_scoped3A : memref<!tpu.dma_semaphore, #tpu.memory_space<semaphore_mem>>)
      %dma_wait3A_28 = tpu.memref_slice %arg3[%mul3A_6] : memref<323584xi32, #tpu.memory_space<hbm>> -> memref<128xi32, #tpu.memory_space<hbm>>
      %dma_wait3A_29 = tpu.memref_slice %arg3[%mul3A_6] : memref<323584xi32, #tpu.memory_space<hbm>> -> memref<128xi32, #tpu.memory_space<hbm>>
      tpu.wait_dma2 semaphore(%run_scoped3A : memref<!tpu.dma_semaphore, #tpu.memory_space<semaphore_mem>>) src(%dma_wait3A_29 : memref<128xi32, #tpu.memory_space<hbm>>) dst(%arg7 : memref<128xi32, #tpu.memory_space<vmem>>)
      tpu.yield
    }) : () -> ()
    "tpu.region"() ({
      %run_scoped3A = tpu.sem_alloc : memref<!tpu.dma_semaphore, #tpu.memory_space<semaphore_mem>>
      %dma_start3A_26 = tpu.memref_slice %arg4[%mul3A_6] : memref<323584xi32, #tpu.memory_space<hbm>> -> memref<128xi32, #tpu.memory_space<hbm>>
      %dma_start3A_27 = tpu.memref_slice %arg4[%mul3A_6] : memref<323584xi32, #tpu.memory_space<hbm>> -> memref<128xi32, #tpu.memory_space<hbm>>
      tpu.enqueue_dma source(%dma_start3A_27 : memref<128xi32, #tpu.memory_space<hbm>>) target(%arg8 : memref<128xi32, #tpu.memory_space<vmem>>) target_semaphore(%run_scoped3A : memref<!tpu.dma_semaphore, #tpu.memory_space<semaphore_mem>>)
      %dma_wait3A_28 = tpu.memref_slice %arg4[%mul3A_6] : memref<323584xi32, #tpu.memory_space<hbm>> -> memref<128xi32, #tpu.memory_space<hbm>>
      %dma_wait3A_29 = tpu.memref_slice %arg4[%mul3A_6] : memref<323584xi32, #tpu.memory_space<hbm>> -> memref<128xi32, #tpu.memory_space<hbm>>
      tpu.wait_dma2 semaphore(%run_scoped3A : memref<!tpu.dma_semaphore, #tpu.memory_space<semaphore_mem>>) src(%dma_wait3A_29 : memref<128xi32, #tpu.memory_space<hbm>>) dst(%arg8 : memref<128xi32, #tpu.memory_space<vmem>>)
      tpu.yield
    }) : () -> ()
    %scan3A = arith.constant 0 : i32
    %scan3A_7 = arith.constant 39 : i32
    %scan3A_8 = arith.addi %scan3A, %scan3A_7 : i32
    %scan3A_9 = arith.constant 1 : i32
    scf.for %scan3A_26 = %scan3A to %scan3A_8 step %scan3A_9  : i32 {
      %mul3A_27 = arith.constant 1 : i32
      %mul3A_28 = arith.muli %scan3A_26, %mul3A_27 : i32
      %add3A_29 = arith.constant 0 : i32
      %add3A_30 = arith.addi %add3A_29, %mul3A_28 : i32
      %mul3A_31 = arith.constant 79 : i32
      %mul3A_32 = arith.muli %add3A, %mul3A_31 : i32
      %mul3A_33 = arith.constant 2 : i32
      %mul3A_34 = arith.muli %mul3A_33, %add3A_30 : i32
      %add3A_35 = arith.addi %mul3A_32, %mul3A_34 : i32
      %mul3A_36 = arith.constant 128 : i32
      %mul3A_37 = arith.muli %add3A_35, %mul3A_36 : i32
      %dma_start3A_38 = arith.constant 0 : i32
      %dma_start3A_39 = arith.constant 0 : i32
      %dma_start3A_40 = tpu.memref_slice %arg2[%dma_start3A_38, %dma_start3A_39] : memref<10240x128xf32, #tpu.memory_space<hbm>> -> memref<10240x128xf32, #tpu.memory_space<hbm>>
      tpu.enqueue_indirect_dma source(%dma_start3A_40 : memref<10240x128xf32, #tpu.memory_space<hbm>>) target(%arg11 : memref<128x128xf32, #tpu.memory_space<vmem>>) offsets(%arg7 : memref<128xi32, #tpu.memory_space<vmem>>) semaphore(%arg14 : memref<!tpu.dma_semaphore, #tpu.memory_space<semaphore_mem>>)
      %add3A_41 = arith.constant 128 : i32
      %add3A_42 = arith.addi %mul3A_37, %add3A_41 : i32
      "tpu.region"() ({
        %run_scoped3A = tpu.sem_alloc : memref<!tpu.dma_semaphore, #tpu.memory_space<semaphore_mem>>
        %dma_start3A_77 = tpu.memref_slice %arg3[%add3A_42] : memref<323584xi32, #tpu.memory_space<hbm>> -> memref<128xi32, #tpu.memory_space<hbm>>
        %dma_start3A_78 = tpu.memref_slice %arg3[%add3A_42] : memref<323584xi32, #tpu.memory_space<hbm>> -> memref<128xi32, #tpu.memory_space<hbm>>
        tpu.enqueue_dma source(%dma_start3A_78 : memref<128xi32, #tpu.memory_space<hbm>>) target(%arg9 : memref<128xi32, #tpu.memory_space<vmem>>) target_semaphore(%run_scoped3A : memref<!tpu.dma_semaphore, #tpu.memory_space<semaphore_mem>>)
        %dma_wait3A_79 = tpu.memref_slice %arg3[%add3A_42] : memref<323584xi32, #tpu.memory_space<hbm>> -> memref<128xi32, #tpu.memory_space<hbm>>
        %dma_wait3A_80 = tpu.memref_slice %arg3[%add3A_42] : memref<323584xi32, #tpu.memory_space<hbm>> -> memref<128xi32, #tpu.memory_space<hbm>>
        tpu.wait_dma2 semaphore(%run_scoped3A : memref<!tpu.dma_semaphore, #tpu.memory_space<semaphore_mem>>) src(%dma_wait3A_80 : memref<128xi32, #tpu.memory_space<hbm>>) dst(%arg9 : memref<128xi32, #tpu.memory_space<vmem>>)
        tpu.yield
      }) : () -> ()
      %add3A_43 = arith.constant 128 : i32
      %add3A_44 = arith.addi %mul3A_37, %add3A_43 : i32
      "tpu.region"() ({
        %run_scoped3A = tpu.sem_alloc : memref<!tpu.dma_semaphore, #tpu.memory_space<semaphore_mem>>
        %dma_start3A_77 = tpu.memref_slice %arg4[%add3A_44] : memref<323584xi32, #tpu.memory_space<hbm>> -> memref<128xi32, #tpu.memory_space<hbm>>
        %dma_start3A_78 = tpu.memref_slice %arg4[%add3A_44] : memref<323584xi32, #tpu.memory_space<hbm>> -> memref<128xi32, #tpu.memory_space<hbm>>
        tpu.enqueue_dma source(%dma_start3A_78 : memref<128xi32, #tpu.memory_space<hbm>>) target(%arg10 : memref<128xi32, #tpu.memory_space<vmem>>) target_semaphore(%run_scoped3A : memref<!tpu.dma_semaphore, #tpu.memory_space<semaphore_mem>>)
        %dma_wait3A_79 = tpu.memref_slice %arg4[%add3A_44] : memref<323584xi32, #tpu.memory_space<hbm>> -> memref<128xi32, #tpu.memory_space<hbm>>
        %dma_wait3A_80 = tpu.memref_slice %arg4[%add3A_44] : memref<323584xi32, #tpu.memory_space<hbm>> -> memref<128xi32, #tpu.memory_space<hbm>>
        tpu.wait_dma2 semaphore(%run_scoped3A : memref<!tpu.dma_semaphore, #tpu.memory_space<semaphore_mem>>) src(%dma_wait3A_80 : memref<128xi32, #tpu.memory_space<hbm>>) dst(%arg10 : memref<128xi32, #tpu.memory_space<vmem>>)
        tpu.yield
      }) : () -> ()
      %dma_start3A_45 = arith.constant 0 : i32
      %dma_start3A_46 = arith.constant 0 : i32
      %dma_start3A_47 = tpu.memref_slice %arg2[%dma_start3A_45, %dma_start3A_46] : memref<10240x128xf32, #tpu.memory_space<hbm>> -> memref<10240x128xf32, #tpu.memory_space<hbm>>
      tpu.enqueue_indirect_dma source(%dma_start3A_47 : memref<10240x128xf32, #tpu.memory_space<hbm>>) target(%arg12 : memref<128x128xf32, #tpu.memory_space<vmem>>) offsets(%arg9 : memref<128xi32, #tpu.memory_space<vmem>>) semaphore(%arg15 : memref<!tpu.dma_semaphore, #tpu.memory_space<semaphore_mem>>)
      %dma_wait3A_48 = arith.constant 0 : i32
      %dma_wait3A_49 = arith.constant 0 : i32
      %dma_wait3A_50 = tpu.memref_slice %arg2[%dma_wait3A_48, %dma_wait3A_49] : memref<10240x128xf32, #tpu.memory_space<hbm>> -> memref<10240x128xf32, #tpu.memory_space<hbm>>
      tpu.wait_indirect_dma semaphore(%arg14 : memref<!tpu.dma_semaphore, #tpu.memory_space<semaphore_mem>>) src(%dma_wait3A_50 : memref<10240x128xf32, #tpu.memory_space<hbm>>) dst(%arg11 : memref<128x128xf32, #tpu.memory_space<vmem>>)
      %dma_start3A_51 = arith.constant 0 : i32
      %dma_start3A_52 = arith.constant 0 : i32
      %dma_start3A_53 = tpu.memref_slice %arg13[%dma_start3A_51, %dma_start3A_52] : memref<10240x128xf32, #tpu.memory_space<vmem_shared>> -> memref<10240x128xf32, #tpu.memory_space<vmem_shared>>
      tpu.enqueue_indirect_dma source(%arg11 : memref<128x128xf32, #tpu.memory_space<vmem>>) target(%dma_start3A_53 : memref<10240x128xf32, #tpu.memory_space<vmem_shared>>) offsets(%arg8 : memref<128xi32, #tpu.memory_space<vmem>>) semaphore(%arg16 : memref<!tpu.dma_semaphore, #tpu.memory_space<semaphore_mem>>) {add = true}
      %add3A_54 = arith.constant 1 : i32
      %add3A_55 = arith.addi %add3A_30, %add3A_54 : i32
      %lt3A = arith.constant 39 : i32
      %lt3A_56 = arith.cmpi slt, %add3A_55, %lt3A : i32
      %convert_element_type3A = arith.extui %lt3A_56 : i1 to i32
      %cond3A = arith.constant 0 : i32
      %cond3A_57 = arith.cmpi ne, %convert_element_type3A, %cond3A : i32
      scf.if %cond3A_57 {
        %add3A_77 = arith.constant 256 : i32
        %add3A_78 = arith.addi %mul3A_37, %add3A_77 : i32
        "tpu.region"() ({
          %run_scoped3A = tpu.sem_alloc : memref<!tpu.dma_semaphore, #tpu.memory_space<semaphore_mem>>
          %dma_start3A_79 = tpu.memref_slice %arg3[%add3A_78] : memref<323584xi32, #tpu.memory_space<hbm>> -> memref<128xi32, #tpu.memory_space<hbm>>
          %dma_start3A_80 = tpu.memref_slice %arg3[%add3A_78] : memref<323584xi32, #tpu.memory_space<hbm>> -> memref<128xi32, #tpu.memory_space<hbm>>
          tpu.enqueue_dma source(%dma_start3A_80 : memref<128xi32, #tpu.memory_space<hbm>>) target(%arg7 : memref<128xi32, #tpu.memory_space<vmem>>) target_semaphore(%run_scoped3A : memref<!tpu.dma_semaphore, #tpu.memory_space<semaphore_mem>>)
          %dma_wait3A_81 = tpu.memref_slice %arg3[%add3A_78] : memref<323584xi32, #tpu.memory_space<hbm>> -> memref<128xi32, #tpu.memory_space<hbm>>
          %dma_wait3A_82 = tpu.memref_slice %arg3[%add3A_78] : memref<323584xi32, #tpu.memory_space<hbm>> -> memref<128xi32, #tpu.memory_space<hbm>>
          tpu.wait_dma2 semaphore(%run_scoped3A : memref<!tpu.dma_semaphore, #tpu.memory_space<semaphore_mem>>) src(%dma_wait3A_82 : memref<128xi32, #tpu.memory_space<hbm>>) dst(%arg7 : memref<128xi32, #tpu.memory_space<vmem>>)
          tpu.yield
        }) : () -> ()
      } else {
      }
      %dma_wait3A_58 = arith.constant 0 : i32
      %dma_wait3A_59 = arith.constant 0 : i32
      %dma_wait3A_60 = tpu.memref_slice %arg2[%dma_wait3A_58, %dma_wait3A_59] : memref<10240x128xf32, #tpu.memory_space<hbm>> -> memref<10240x128xf32, #tpu.memory_space<hbm>>
      tpu.wait_indirect_dma semaphore(%arg15 : memref<!tpu.dma_semaphore, #tpu.memory_space<semaphore_mem>>) src(%dma_wait3A_60 : memref<10240x128xf32, #tpu.memory_space<hbm>>) dst(%arg12 : memref<128x128xf32, #tpu.memory_space<vmem>>)
      %dma_wait3A_61 = arith.constant 0 : i32
      %dma_wait3A_62 = arith.constant 0 : i32
      %dma_wait3A_63 = tpu.memref_slice %arg13[%dma_wait3A_61, %dma_wait3A_62] : memref<10240x128xf32, #tpu.memory_space<vmem_shared>> -> memref<10240x128xf32, #tpu.memory_space<vmem_shared>>
      tpu.wait_indirect_dma semaphore(%arg16 : memref<!tpu.dma_semaphore, #tpu.memory_space<semaphore_mem>>) src(%arg11 : memref<128x128xf32, #tpu.memory_space<vmem>>) dst(%dma_wait3A_63 : memref<10240x128xf32, #tpu.memory_space<vmem_shared>>)
      %dma_start3A_64 = arith.constant 0 : i32
      %dma_start3A_65 = arith.constant 0 : i32
      %dma_start3A_66 = tpu.memref_slice %arg13[%dma_start3A_64, %dma_start3A_65] : memref<10240x128xf32, #tpu.memory_space<vmem_shared>> -> memref<10240x128xf32, #tpu.memory_space<vmem_shared>>
      tpu.enqueue_indirect_dma source(%arg12 : memref<128x128xf32, #tpu.memory_space<vmem>>) target(%dma_start3A_66 : memref<10240x128xf32, #tpu.memory_space<vmem_shared>>) offsets(%arg10 : memref<128xi32, #tpu.memory_space<vmem>>) semaphore(%arg17 : memref<!tpu.dma_semaphore, #tpu.memory_space<semaphore_mem>>) {add = true}
      %add3A_67 = arith.constant 1 : i32
      %add3A_68 = arith.addi %add3A_30, %add3A_67 : i32
      %lt3A_69 = arith.constant 39 : i32
      %lt3A_70 = arith.cmpi slt, %add3A_68, %lt3A_69 : i32
      %convert_element_type3A_71 = arith.extui %lt3A_70 : i1 to i32
      %cond3A_72 = arith.constant 0 : i32
      %cond3A_73 = arith.cmpi ne, %convert_element_type3A_71, %cond3A_72 : i32
      scf.if %cond3A_73 {
        %add3A_77 = arith.constant 256 : i32
        %add3A_78 = arith.addi %mul3A_37, %add3A_77 : i32
        "tpu.region"() ({
          %run_scoped3A = tpu.sem_alloc : memref<!tpu.dma_semaphore, #tpu.memory_space<semaphore_mem>>
          %dma_start3A_79 = tpu.memref_slice %arg4[%add3A_78] : memref<323584xi32, #tpu.memory_space<hbm>> -> memref<128xi32, #tpu.memory_space<hbm>>
          %dma_start3A_80 = tpu.memref_slice %arg4[%add3A_78] : memref<323584xi32, #tpu.memory_space<hbm>> -> memref<128xi32, #tpu.memory_space<hbm>>
          tpu.enqueue_dma source(%dma_start3A_80 : memref<128xi32, #tpu.memory_space<hbm>>) target(%arg8 : memref<128xi32, #tpu.memory_space<vmem>>) target_semaphore(%run_scoped3A : memref<!tpu.dma_semaphore, #tpu.memory_space<semaphore_mem>>)
          %dma_wait3A_81 = tpu.memref_slice %arg4[%add3A_78] : memref<323584xi32, #tpu.memory_space<hbm>> -> memref<128xi32, #tpu.memory_space<hbm>>
          %dma_wait3A_82 = tpu.memref_slice %arg4[%add3A_78] : memref<323584xi32, #tpu.memory_space<hbm>> -> memref<128xi32, #tpu.memory_space<hbm>>
          tpu.wait_dma2 semaphore(%run_scoped3A : memref<!tpu.dma_semaphore, #tpu.memory_space<semaphore_mem>>) src(%dma_wait3A_82 : memref<128xi32, #tpu.memory_space<hbm>>) dst(%arg8 : memref<128xi32, #tpu.memory_space<vmem>>)
          tpu.yield
        }) : () -> ()
      } else {
      }
      %dma_wait3A_74 = arith.constant 0 : i32
      %dma_wait3A_75 = arith.constant 0 : i32
      %dma_wait3A_76 = tpu.memref_slice %arg13[%dma_wait3A_74, %dma_wait3A_75] : memref<10240x128xf32, #tpu.memory_space<vmem_shared>> -> memref<10240x128xf32, #tpu.memory_space<vmem_shared>>
      tpu.wait_indirect_dma semaphore(%arg17 : memref<!tpu.dma_semaphore, #tpu.memory_space<semaphore_mem>>) src(%arg12 : memref<128x128xf32, #tpu.memory_space<vmem>>) dst(%dma_wait3A_76 : memref<10240x128xf32, #tpu.memory_space<vmem_shared>>)
    }
    %scan3A_10 = arith.constant 39 : i32
    %mul3A_11 = arith.constant 79 : i32
    %mul3A_12 = arith.muli %add3A, %mul3A_11 : i32
    %add3A_13 = arith.constant 79 : i32
    %add3A_14 = arith.addi %mul3A_12, %add3A_13 : i32
    %sub3A = arith.constant 1 : i32
    %sub3A_15 = arith.subi %add3A_14, %sub3A : i32
    %mul3A_16 = arith.constant 128 : i32
    %mul3A_17 = arith.muli %sub3A_15, %mul3A_16 : i32
    "tpu.region"() ({
      %run_scoped3A = tpu.sem_alloc : memref<!tpu.dma_semaphore, #tpu.memory_space<semaphore_mem>>
      %dma_start3A_26 = tpu.memref_slice %arg3[%mul3A_17] : memref<323584xi32, #tpu.memory_space<hbm>> -> memref<128xi32, #tpu.memory_space<hbm>>
      %dma_start3A_27 = tpu.memref_slice %arg3[%mul3A_17] : memref<323584xi32, #tpu.memory_space<hbm>> -> memref<128xi32, #tpu.memory_space<hbm>>
      tpu.enqueue_dma source(%dma_start3A_27 : memref<128xi32, #tpu.memory_space<hbm>>) target(%arg7 : memref<128xi32, #tpu.memory_space<vmem>>) target_semaphore(%run_scoped3A : memref<!tpu.dma_semaphore, #tpu.memory_space<semaphore_mem>>)
      %dma_wait3A_28 = tpu.memref_slice %arg3[%mul3A_17] : memref<323584xi32, #tpu.memory_space<hbm>> -> memref<128xi32, #tpu.memory_space<hbm>>
      %dma_wait3A_29 = tpu.memref_slice %arg3[%mul3A_17] : memref<323584xi32, #tpu.memory_space<hbm>> -> memref<128xi32, #tpu.memory_space<hbm>>
      tpu.wait_dma2 semaphore(%run_scoped3A : memref<!tpu.dma_semaphore, #tpu.memory_space<semaphore_mem>>) src(%dma_wait3A_29 : memref<128xi32, #tpu.memory_space<hbm>>) dst(%arg7 : memref<128xi32, #tpu.memory_space<vmem>>)
      tpu.yield
    }) : () -> ()
    "tpu.region"() ({
      %run_scoped3A = tpu.sem_alloc : memref<!tpu.dma_semaphore, #tpu.memory_space<semaphore_mem>>
      %dma_start3A_26 = tpu.memref_slice %arg4[%mul3A_17] : memref<323584xi32, #tpu.memory_space<hbm>> -> memref<128xi32, #tpu.memory_space<hbm>>
      %dma_start3A_27 = tpu.memref_slice %arg4[%mul3A_17] : memref<323584xi32, #tpu.memory_space<hbm>> -> memref<128xi32, #tpu.memory_space<hbm>>
      tpu.enqueue_dma source(%dma_start3A_27 : memref<128xi32, #tpu.memory_space<hbm>>) target(%arg8 : memref<128xi32, #tpu.memory_space<vmem>>) target_semaphore(%run_scoped3A : memref<!tpu.dma_semaphore, #tpu.memory_space<semaphore_mem>>)
      %dma_wait3A_28 = tpu.memref_slice %arg4[%mul3A_17] : memref<323584xi32, #tpu.memory_space<hbm>> -> memref<128xi32, #tpu.memory_space<hbm>>
      %dma_wait3A_29 = tpu.memref_slice %arg4[%mul3A_17] : memref<323584xi32, #tpu.memory_space<hbm>> -> memref<128xi32, #tpu.memory_space<hbm>>
      tpu.wait_dma2 semaphore(%run_scoped3A : memref<!tpu.dma_semaphore, #tpu.memory_space<semaphore_mem>>) src(%dma_wait3A_29 : memref<128xi32, #tpu.memory_space<hbm>>) dst(%arg8 : memref<128xi32, #tpu.memory_space<vmem>>)
      tpu.yield
    }) : () -> ()
    %dma_start3A = arith.constant 0 : i32
    %dma_start3A_18 = arith.constant 0 : i32
    %dma_start3A_19 = tpu.memref_slice %arg2[%dma_start3A, %dma_start3A_18] : memref<10240x128xf32, #tpu.memory_space<hbm>> -> memref<10240x128xf32, #tpu.memory_space<hbm>>
    tpu.enqueue_indirect_dma source(%dma_start3A_19 : memref<10240x128xf32, #tpu.memory_space<hbm>>) target(%arg11 : memref<128x128xf32, #tpu.memory_space<vmem>>) offsets(%arg7 : memref<128xi32, #tpu.memory_space<vmem>>) semaphore(%arg14 : memref<!tpu.dma_semaphore, #tpu.memory_space<semaphore_mem>>)
    %dma_wait3A = arith.constant 0 : i32
    %dma_wait3A_20 = arith.constant 0 : i32
    %dma_wait3A_21 = tpu.memref_slice %arg2[%dma_wait3A, %dma_wait3A_20] : memref<10240x128xf32, #tpu.memory_space<hbm>> -> memref<10240x128xf32, #tpu.memory_space<hbm>>
    tpu.wait_indirect_dma semaphore(%arg14 : memref<!tpu.dma_semaphore, #tpu.memory_space<semaphore_mem>>) src(%dma_wait3A_21 : memref<10240x128xf32, #tpu.memory_space<hbm>>) dst(%arg11 : memref<128x128xf32, #tpu.memory_space<vmem>>)
    "tpu.region"() ({
      %run_scoped3A = tpu.sem_alloc : memref<!tpu.dma_semaphore, #tpu.memory_space<semaphore_mem>>
      %dma_start3A_26 = arith.constant 0 : i32
      %dma_start3A_27 = arith.constant 0 : i32
      %dma_start3A_28 = tpu.memref_slice %arg13[%dma_start3A_26, %dma_start3A_27] : memref<10240x128xf32, #tpu.memory_space<vmem_shared>> -> memref<10240x128xf32, #tpu.memory_space<vmem_shared>>
      tpu.enqueue_indirect_dma source(%arg11 : memref<128x128xf32, #tpu.memory_space<vmem>>) target(%dma_start3A_28 : memref<10240x128xf32, #tpu.memory_space<vmem_shared>>) offsets(%arg8 : memref<128xi32, #tpu.memory_space<vmem>>) semaphore(%run_scoped3A : memref<!tpu.dma_semaphore, #tpu.memory_space<semaphore_mem>>) {add = true}
      %dma_wait3A_29 = arith.constant 0 : i32
      %dma_wait3A_30 = arith.constant 0 : i32
      %dma_wait3A_31 = tpu.memref_slice %arg13[%dma_wait3A_29, %dma_wait3A_30] : memref<10240x128xf32, #tpu.memory_space<vmem_shared>> -> memref<10240x128xf32, #tpu.memory_space<vmem_shared>>
      tpu.wait_indirect_dma semaphore(%run_scoped3A : memref<!tpu.dma_semaphore, #tpu.memory_space<semaphore_mem>>) src(%arg11 : memref<128x128xf32, #tpu.memory_space<vmem>>) dst(%dma_wait3A_31 : memref<10240x128xf32, #tpu.memory_space<vmem_shared>>)
      tpu.yield
    }) : () -> ()
    %barrier3A_22 = arith.constant 0 : index
    tpu.barrier barrier_id(%barrier3A_22)
    %mul3A_23 = arith.constant 10240 : i32
    %mul3A_24 = arith.muli %arg0, %mul3A_23 : i32
    %add3A_25 = arith.addi %mul3A_24, %mul3A_0 : i32
    "tpu.region"() ({
      %run_scoped3A = tpu.sem_alloc : memref<!tpu.dma_semaphore, #tpu.memory_space<semaphore_mem>>
      %dma_start3A_26 = arith.constant 0 : i32
      %dma_start3A_27 = tpu.memref_slice %arg6[%add3A_25, %dma_start3A_26] : memref<20480x128xf32, #tpu.memory_space<hbm>> -> memref<640x128xf32, #tpu.memory_space<hbm>>
      %dma_start3A_28 = arith.constant 0 : i32
      %dma_start3A_29 = tpu.memref_slice %arg13[%mul3A_0, %dma_start3A_28] : memref<10240x128xf32, #tpu.memory_space<vmem_shared>> -> memref<640x128xf32, #tpu.memory_space<vmem_shared>>
      tpu.enqueue_dma source(%dma_start3A_29 : memref<640x128xf32, #tpu.memory_space<vmem_shared>>) target(%dma_start3A_27 : memref<640x128xf32, #tpu.memory_space<hbm>>) target_semaphore(%run_scoped3A : memref<!tpu.dma_semaphore, #tpu.memory_space<semaphore_mem>>)
      %dma_wait3A_30 = arith.constant 0 : i32
      %dma_wait3A_31 = tpu.memref_slice %arg6[%add3A_25, %dma_wait3A_30] : memref<20480x128xf32, #tpu.memory_space<hbm>> -> memref<640x128xf32, #tpu.memory_space<hbm>>
      %dma_wait3A_32 = arith.constant 0 : i32
      %dma_wait3A_33 = tpu.memref_slice %arg13[%mul3A_0, %dma_wait3A_32] : memref<10240x128xf32, #tpu.memory_space<vmem_shared>> -> memref<640x128xf32, #tpu.memory_space<vmem_shared>>
      tpu.wait_dma2 semaphore(%run_scoped3A : memref<!tpu.dma_semaphore, #tpu.memory_space<semaphore_mem>>) src(%dma_wait3A_33 : memref<640x128xf32, #tpu.memory_space<vmem_shared>>) dst(%dma_wait3A_31 : memref<640x128xf32, #tpu.memory_space<hbm>>)
      tpu.yield
    }) : () -> ()
    return
  }
}

#map = affine_map<(d0, d1) -> (0)>
#map1 = affine_map<(d0, d1) -> (0, 0)>
module attributes {stable_mosaic.version = 14 : i64} {
  func.func @deg_kernel(%arg0: i32, %arg1: i32, %arg2: memref<323584xi32, #tpu.memory_space<hbm>>, %arg3: memref<128x128xf32, #tpu.memory_space<hbm>>, %arg4: memref<10240x128xf32, #tpu.memory_space<hbm>>, %arg5: memref<20480x128xf32, #tpu.memory_space<hbm>>, %arg6: memref<128xi32, #tpu.memory_space<vmem>>, %arg7: memref<128xi32, #tpu.memory_space<vmem>>, %arg8: memref<128x128xf32, #tpu.memory_space<vmem>>, %arg9: memref<10240x128xf32, #tpu.memory_space<vmem_shared>>, %arg10: memref<!tpu.dma_semaphore, #tpu.memory_space<semaphore_mem>>, %arg11: memref<!tpu.dma_semaphore, #tpu.memory_space<semaphore_mem>>) attributes {dimension_semantics = [#tpu.dimension_semantics<core_parallel>, #tpu.dimension_semantics<subcore_parallel>], iteration_bounds = array<i64: 2, 16>, scalar_prefetch = 0 : i64, scratch_operands = 6 : i64, tpu.core_type = #tpu.core_type<sc_vector_subcore>, window_params = [{transform_indices = #map}, {transform_indices = #map1}, {transform_indices = #map1}, {transform_indices = #map1}]} {
    %mul3A = arith.constant 640 : i32
    %mul3A_0 = arith.muli %arg1, %mul3A : i32
    "tpu.region"() ({
      %run_scoped3A = tpu.sem_alloc : memref<!tpu.dma_semaphore, #tpu.memory_space<semaphore_mem>>
      %dma_start3A = arith.constant 0 : i32
      %dma_start3A_22 = tpu.memref_slice %arg9[%mul3A_0, %dma_start3A] : memref<10240x128xf32, #tpu.memory_space<vmem_shared>> -> memref<640x128xf32, #tpu.memory_space<vmem_shared>>
      %dma_start3A_23 = arith.constant 0 : i32
      %dma_start3A_24 = tpu.memref_slice %arg4[%mul3A_0, %dma_start3A_23] : memref<10240x128xf32, #tpu.memory_space<hbm>> -> memref<640x128xf32, #tpu.memory_space<hbm>>
      tpu.enqueue_dma source(%dma_start3A_24 : memref<640x128xf32, #tpu.memory_space<hbm>>) target(%dma_start3A_22 : memref<640x128xf32, #tpu.memory_space<vmem_shared>>) target_semaphore(%run_scoped3A : memref<!tpu.dma_semaphore, #tpu.memory_space<semaphore_mem>>)
      %dma_wait3A = arith.constant 0 : i32
      %dma_wait3A_25 = tpu.memref_slice %arg9[%mul3A_0, %dma_wait3A] : memref<10240x128xf32, #tpu.memory_space<vmem_shared>> -> memref<640x128xf32, #tpu.memory_space<vmem_shared>>
      %dma_wait3A_26 = arith.constant 0 : i32
      %dma_wait3A_27 = tpu.memref_slice %arg4[%mul3A_0, %dma_wait3A_26] : memref<10240x128xf32, #tpu.memory_space<hbm>> -> memref<640x128xf32, #tpu.memory_space<hbm>>
      tpu.wait_dma2 semaphore(%run_scoped3A : memref<!tpu.dma_semaphore, #tpu.memory_space<semaphore_mem>>) src(%dma_wait3A_27 : memref<640x128xf32, #tpu.memory_space<hbm>>) dst(%dma_wait3A_25 : memref<640x128xf32, #tpu.memory_space<vmem_shared>>)
      tpu.yield
    }) : () -> ()
    "tpu.region"() ({
      %run_scoped3A = tpu.sem_alloc : memref<!tpu.dma_semaphore, #tpu.memory_space<semaphore_mem>>
      tpu.enqueue_dma source(%arg3 : memref<128x128xf32, #tpu.memory_space<hbm>>) target(%arg8 : memref<128x128xf32, #tpu.memory_space<vmem>>) target_semaphore(%run_scoped3A : memref<!tpu.dma_semaphore, #tpu.memory_space<semaphore_mem>>)
      tpu.wait_dma2 semaphore(%run_scoped3A : memref<!tpu.dma_semaphore, #tpu.memory_space<semaphore_mem>>) src(%arg3 : memref<128x128xf32, #tpu.memory_space<hbm>>) dst(%arg8 : memref<128x128xf32, #tpu.memory_space<vmem>>)
      tpu.yield
    }) : () -> ()
    %barrier3A = arith.constant 0 : index
    tpu.barrier barrier_id(%barrier3A)
    %mul3A_1 = arith.constant 16 : i32
    %mul3A_2 = arith.muli %arg0, %mul3A_1 : i32
    %add3A = arith.addi %mul3A_2, %arg1 : i32
    %mul3A_3 = arith.constant 79 : i32
    %mul3A_4 = arith.muli %add3A, %mul3A_3 : i32
    %mul3A_5 = arith.constant 128 : i32
    %mul3A_6 = arith.muli %mul3A_4, %mul3A_5 : i32
    "tpu.region"() ({
      %run_scoped3A = tpu.sem_alloc : memref<!tpu.dma_semaphore, #tpu.memory_space<semaphore_mem>>
      %dma_start3A = tpu.memref_slice %arg2[%mul3A_6] : memref<323584xi32, #tpu.memory_space<hbm>> -> memref<128xi32, #tpu.memory_space<hbm>>
      %dma_start3A_22 = tpu.memref_slice %arg2[%mul3A_6] : memref<323584xi32, #tpu.memory_space<hbm>> -> memref<128xi32, #tpu.memory_space<hbm>>
      tpu.enqueue_dma source(%dma_start3A_22 : memref<128xi32, #tpu.memory_space<hbm>>) target(%arg6 : memref<128xi32, #tpu.memory_space<vmem>>) target_semaphore(%run_scoped3A : memref<!tpu.dma_semaphore, #tpu.memory_space<semaphore_mem>>)
      %dma_wait3A = tpu.memref_slice %arg2[%mul3A_6] : memref<323584xi32, #tpu.memory_space<hbm>> -> memref<128xi32, #tpu.memory_space<hbm>>
      %dma_wait3A_23 = tpu.memref_slice %arg2[%mul3A_6] : memref<323584xi32, #tpu.memory_space<hbm>> -> memref<128xi32, #tpu.memory_space<hbm>>
      tpu.wait_dma2 semaphore(%run_scoped3A : memref<!tpu.dma_semaphore, #tpu.memory_space<semaphore_mem>>) src(%dma_wait3A_23 : memref<128xi32, #tpu.memory_space<hbm>>) dst(%arg6 : memref<128xi32, #tpu.memory_space<vmem>>)
      tpu.yield
    }) : () -> ()
    %scan3A = arith.constant 0 : i32
    %scan3A_7 = arith.constant 39 : i32
    %scan3A_8 = arith.addi %scan3A, %scan3A_7 : i32
    %scan3A_9 = arith.constant 1 : i32
    scf.for %scan3A_22 = %scan3A to %scan3A_8 step %scan3A_9  : i32 {
      %mul3A_23 = arith.constant 1 : i32
      %mul3A_24 = arith.muli %scan3A_22, %mul3A_23 : i32
      %add3A_25 = arith.constant 0 : i32
      %add3A_26 = arith.addi %add3A_25, %mul3A_24 : i32
      %mul3A_27 = arith.constant 79 : i32
      %mul3A_28 = arith.muli %add3A, %mul3A_27 : i32
      %mul3A_29 = arith.constant 2 : i32
      %mul3A_30 = arith.muli %mul3A_29, %add3A_26 : i32
      %add3A_31 = arith.addi %mul3A_28, %mul3A_30 : i32
      %mul3A_32 = arith.constant 128 : i32
      %mul3A_33 = arith.muli %add3A_31, %mul3A_32 : i32
      %dma_start3A = arith.constant 0 : i32
      %dma_start3A_34 = arith.constant 0 : i32
      %dma_start3A_35 = tpu.memref_slice %arg9[%dma_start3A, %dma_start3A_34] : memref<10240x128xf32, #tpu.memory_space<vmem_shared>> -> memref<10240x128xf32, #tpu.memory_space<vmem_shared>>
      tpu.enqueue_indirect_dma source(%arg8 : memref<128x128xf32, #tpu.memory_space<vmem>>) target(%dma_start3A_35 : memref<10240x128xf32, #tpu.memory_space<vmem_shared>>) offsets(%arg6 : memref<128xi32, #tpu.memory_space<vmem>>) semaphore(%arg10 : memref<!tpu.dma_semaphore, #tpu.memory_space<semaphore_mem>>) {add = true}
      %add3A_36 = arith.constant 128 : i32
      %add3A_37 = arith.addi %mul3A_33, %add3A_36 : i32
      "tpu.region"() ({
        %run_scoped3A = tpu.sem_alloc : memref<!tpu.dma_semaphore, #tpu.memory_space<semaphore_mem>>
        %dma_start3A_50 = tpu.memref_slice %arg2[%add3A_37] : memref<323584xi32, #tpu.memory_space<hbm>> -> memref<128xi32, #tpu.memory_space<hbm>>
        %dma_start3A_51 = tpu.memref_slice %arg2[%add3A_37] : memref<323584xi32, #tpu.memory_space<hbm>> -> memref<128xi32, #tpu.memory_space<hbm>>
        tpu.enqueue_dma source(%dma_start3A_51 : memref<128xi32, #tpu.memory_space<hbm>>) target(%arg7 : memref<128xi32, #tpu.memory_space<vmem>>) target_semaphore(%run_scoped3A : memref<!tpu.dma_semaphore, #tpu.memory_space<semaphore_mem>>)
        %dma_wait3A_52 = tpu.memref_slice %arg2[%add3A_37] : memref<323584xi32, #tpu.memory_space<hbm>> -> memref<128xi32, #tpu.memory_space<hbm>>
        %dma_wait3A_53 = tpu.memref_slice %arg2[%add3A_37] : memref<323584xi32, #tpu.memory_space<hbm>> -> memref<128xi32, #tpu.memory_space<hbm>>
        tpu.wait_dma2 semaphore(%run_scoped3A : memref<!tpu.dma_semaphore, #tpu.memory_space<semaphore_mem>>) src(%dma_wait3A_53 : memref<128xi32, #tpu.memory_space<hbm>>) dst(%arg7 : memref<128xi32, #tpu.memory_space<vmem>>)
        tpu.yield
      }) : () -> ()
      %dma_start3A_38 = arith.constant 0 : i32
      %dma_start3A_39 = arith.constant 0 : i32
      %dma_start3A_40 = tpu.memref_slice %arg9[%dma_start3A_38, %dma_start3A_39] : memref<10240x128xf32, #tpu.memory_space<vmem_shared>> -> memref<10240x128xf32, #tpu.memory_space<vmem_shared>>
      tpu.enqueue_indirect_dma source(%arg8 : memref<128x128xf32, #tpu.memory_space<vmem>>) target(%dma_start3A_40 : memref<10240x128xf32, #tpu.memory_space<vmem_shared>>) offsets(%arg7 : memref<128xi32, #tpu.memory_space<vmem>>) semaphore(%arg11 : memref<!tpu.dma_semaphore, #tpu.memory_space<semaphore_mem>>) {add = true}
      %dma_wait3A = arith.constant 0 : i32
      %dma_wait3A_41 = arith.constant 0 : i32
      %dma_wait3A_42 = tpu.memref_slice %arg9[%dma_wait3A, %dma_wait3A_41] : memref<10240x128xf32, #tpu.memory_space<vmem_shared>> -> memref<10240x128xf32, #tpu.memory_space<vmem_shared>>
      tpu.wait_indirect_dma semaphore(%arg10 : memref<!tpu.dma_semaphore, #tpu.memory_space<semaphore_mem>>) src(%arg8 : memref<128x128xf32, #tpu.memory_space<vmem>>) dst(%dma_wait3A_42 : memref<10240x128xf32, #tpu.memory_space<vmem_shared>>)
      %add3A_43 = arith.constant 1 : i32
      %add3A_44 = arith.addi %add3A_26, %add3A_43 : i32
      %lt3A = arith.constant 39 : i32
      %lt3A_45 = arith.cmpi slt, %add3A_44, %lt3A : i32
      %convert_element_type3A = arith.extui %lt3A_45 : i1 to i32
      %cond3A = arith.constant 0 : i32
      %cond3A_46 = arith.cmpi ne, %convert_element_type3A, %cond3A : i32
      scf.if %cond3A_46 {
        %add3A_50 = arith.constant 256 : i32
        %add3A_51 = arith.addi %mul3A_33, %add3A_50 : i32
        "tpu.region"() ({
          %run_scoped3A = tpu.sem_alloc : memref<!tpu.dma_semaphore, #tpu.memory_space<semaphore_mem>>
          %dma_start3A_52 = tpu.memref_slice %arg2[%add3A_51] : memref<323584xi32, #tpu.memory_space<hbm>> -> memref<128xi32, #tpu.memory_space<hbm>>
          %dma_start3A_53 = tpu.memref_slice %arg2[%add3A_51] : memref<323584xi32, #tpu.memory_space<hbm>> -> memref<128xi32, #tpu.memory_space<hbm>>
          tpu.enqueue_dma source(%dma_start3A_53 : memref<128xi32, #tpu.memory_space<hbm>>) target(%arg6 : memref<128xi32, #tpu.memory_space<vmem>>) target_semaphore(%run_scoped3A : memref<!tpu.dma_semaphore, #tpu.memory_space<semaphore_mem>>)
          %dma_wait3A_54 = tpu.memref_slice %arg2[%add3A_51] : memref<323584xi32, #tpu.memory_space<hbm>> -> memref<128xi32, #tpu.memory_space<hbm>>
          %dma_wait3A_55 = tpu.memref_slice %arg2[%add3A_51] : memref<323584xi32, #tpu.memory_space<hbm>> -> memref<128xi32, #tpu.memory_space<hbm>>
          tpu.wait_dma2 semaphore(%run_scoped3A : memref<!tpu.dma_semaphore, #tpu.memory_space<semaphore_mem>>) src(%dma_wait3A_55 : memref<128xi32, #tpu.memory_space<hbm>>) dst(%arg6 : memref<128xi32, #tpu.memory_space<vmem>>)
          tpu.yield
        }) : () -> ()
      } else {
      }
      %dma_wait3A_47 = arith.constant 0 : i32
      %dma_wait3A_48 = arith.constant 0 : i32
      %dma_wait3A_49 = tpu.memref_slice %arg9[%dma_wait3A_47, %dma_wait3A_48] : memref<10240x128xf32, #tpu.memory_space<vmem_shared>> -> memref<10240x128xf32, #tpu.memory_space<vmem_shared>>
      tpu.wait_indirect_dma semaphore(%arg11 : memref<!tpu.dma_semaphore, #tpu.memory_space<semaphore_mem>>) src(%arg8 : memref<128x128xf32, #tpu.memory_space<vmem>>) dst(%dma_wait3A_49 : memref<10240x128xf32, #tpu.memory_space<vmem_shared>>)
    }
    %scan3A_10 = arith.constant 39 : i32
    %mul3A_11 = arith.constant 79 : i32
    %mul3A_12 = arith.muli %add3A, %mul3A_11 : i32
    %add3A_13 = arith.constant 79 : i32
    %add3A_14 = arith.addi %mul3A_12, %add3A_13 : i32
    %sub3A = arith.constant 1 : i32
    %sub3A_15 = arith.subi %add3A_14, %sub3A : i32
    %mul3A_16 = arith.constant 128 : i32
    %mul3A_17 = arith.muli %sub3A_15, %mul3A_16 : i32
    "tpu.region"() ({
      %run_scoped3A = tpu.sem_alloc : memref<!tpu.dma_semaphore, #tpu.memory_space<semaphore_mem>>
      %dma_start3A = tpu.memref_slice %arg2[%mul3A_17] : memref<323584xi32, #tpu.memory_space<hbm>> -> memref<128xi32, #tpu.memory_space<hbm>>
      %dma_start3A_22 = tpu.memref_slice %arg2[%mul3A_17] : memref<323584xi32, #tpu.memory_space<hbm>> -> memref<128xi32, #tpu.memory_space<hbm>>
      tpu.enqueue_dma source(%dma_start3A_22 : memref<128xi32, #tpu.memory_space<hbm>>) target(%arg6 : memref<128xi32, #tpu.memory_space<vmem>>) target_semaphore(%run_scoped3A : memref<!tpu.dma_semaphore, #tpu.memory_space<semaphore_mem>>)
      %dma_wait3A = tpu.memref_slice %arg2[%mul3A_17] : memref<323584xi32, #tpu.memory_space<hbm>> -> memref<128xi32, #tpu.memory_space<hbm>>
      %dma_wait3A_23 = tpu.memref_slice %arg2[%mul3A_17] : memref<323584xi32, #tpu.memory_space<hbm>> -> memref<128xi32, #tpu.memory_space<hbm>>
      tpu.wait_dma2 semaphore(%run_scoped3A : memref<!tpu.dma_semaphore, #tpu.memory_space<semaphore_mem>>) src(%dma_wait3A_23 : memref<128xi32, #tpu.memory_space<hbm>>) dst(%arg6 : memref<128xi32, #tpu.memory_space<vmem>>)
      tpu.yield
    }) : () -> ()
    "tpu.region"() ({
      %run_scoped3A = tpu.sem_alloc : memref<!tpu.dma_semaphore, #tpu.memory_space<semaphore_mem>>
      %dma_start3A = arith.constant 0 : i32
      %dma_start3A_22 = arith.constant 0 : i32
      %dma_start3A_23 = tpu.memref_slice %arg9[%dma_start3A, %dma_start3A_22] : memref<10240x128xf32, #tpu.memory_space<vmem_shared>> -> memref<10240x128xf32, #tpu.memory_space<vmem_shared>>
      tpu.enqueue_indirect_dma source(%arg8 : memref<128x128xf32, #tpu.memory_space<vmem>>) target(%dma_start3A_23 : memref<10240x128xf32, #tpu.memory_space<vmem_shared>>) offsets(%arg6 : memref<128xi32, #tpu.memory_space<vmem>>) semaphore(%run_scoped3A : memref<!tpu.dma_semaphore, #tpu.memory_space<semaphore_mem>>) {add = true}
      %dma_wait3A = arith.constant 0 : i32
      %dma_wait3A_24 = arith.constant 0 : i32
      %dma_wait3A_25 = tpu.memref_slice %arg9[%dma_wait3A, %dma_wait3A_24] : memref<10240x128xf32, #tpu.memory_space<vmem_shared>> -> memref<10240x128xf32, #tpu.memory_space<vmem_shared>>
      tpu.wait_indirect_dma semaphore(%run_scoped3A : memref<!tpu.dma_semaphore, #tpu.memory_space<semaphore_mem>>) src(%arg8 : memref<128x128xf32, #tpu.memory_space<vmem>>) dst(%dma_wait3A_25 : memref<10240x128xf32, #tpu.memory_space<vmem_shared>>)
      tpu.yield
    }) : () -> ()
    %barrier3A_18 = arith.constant 0 : index
    tpu.barrier barrier_id(%barrier3A_18)
    %mul3A_19 = arith.constant 10240 : i32
    %mul3A_20 = arith.muli %arg0, %mul3A_19 : i32
    %add3A_21 = arith.addi %mul3A_20, %mul3A_0 : i32
    "tpu.region"() ({
      %run_scoped3A = tpu.sem_alloc : memref<!tpu.dma_semaphore, #tpu.memory_space<semaphore_mem>>
      %dma_start3A = arith.constant 0 : i32
      %dma_start3A_22 = tpu.memref_slice %arg5[%add3A_21, %dma_start3A] : memref<20480x128xf32, #tpu.memory_space<hbm>> -> memref<640x128xf32, #tpu.memory_space<hbm>>
      %dma_start3A_23 = arith.constant 0 : i32
      %dma_start3A_24 = tpu.memref_slice %arg9[%mul3A_0, %dma_start3A_23] : memref<10240x128xf32, #tpu.memory_space<vmem_shared>> -> memref<640x128xf32, #tpu.memory_space<vmem_shared>>
      tpu.enqueue_dma source(%dma_start3A_24 : memref<640x128xf32, #tpu.memory_space<vmem_shared>>) target(%dma_start3A_22 : memref<640x128xf32, #tpu.memory_space<hbm>>) target_semaphore(%run_scoped3A : memref<!tpu.dma_semaphore, #tpu.memory_space<semaphore_mem>>)
      %dma_wait3A = arith.constant 0 : i32
      %dma_wait3A_25 = tpu.memref_slice %arg5[%add3A_21, %dma_wait3A] : memref<20480x128xf32, #tpu.memory_space<hbm>> -> memref<640x128xf32, #tpu.memory_space<hbm>>
      %dma_wait3A_26 = arith.constant 0 : i32
      %dma_wait3A_27 = tpu.memref_slice %arg9[%mul3A_0, %dma_wait3A_26] : memref<10240x128xf32, #tpu.memory_space<vmem_shared>> -> memref<640x128xf32, #tpu.memory_space<vmem_shared>>
      tpu.wait_dma2 semaphore(%run_scoped3A : memref<!tpu.dma_semaphore, #tpu.memory_space<semaphore_mem>>) src(%dma_wait3A_27 : memref<640x128xf32, #tpu.memory_space<vmem_shared>>) dst(%dma_wait3A_25 : memref<640x128xf32, #tpu.memory_space<hbm>>)
      tpu.yield
    }) : () -> ()
    return
  }
}

#map = affine_map<(d0, d1) -> (0, 0)>
#map1 = affine_map<(d0, d1) -> (0)>
module attributes {stable_mosaic.version = 14 : i64} {
  func.func @agg_kernel(%arg0: i32, %arg1: i32, %arg2: memref<10240x128xf32, #tpu.memory_space<hbm>>, %arg3: memref<323584xi32, #tpu.memory_space<hbm>>, %arg4: memref<323584xi32, #tpu.memory_space<hbm>>, %arg5: memref<10240x128xf32, #tpu.memory_space<hbm>>, %arg6: memref<20480x128xf32, #tpu.memory_space<hbm>>, %arg7: memref<128xi32, #tpu.memory_space<vmem>>, %arg8: memref<128xi32, #tpu.memory_space<vmem>>, %arg9: memref<128xi32, #tpu.memory_space<vmem>>, %arg10: memref<128xi32, #tpu.memory_space<vmem>>, %arg11: memref<128x128xf32, #tpu.memory_space<vmem>>, %arg12: memref<128x128xf32, #tpu.memory_space<vmem>>, %arg13: memref<10240x128xf32, #tpu.memory_space<vmem_shared>>, %arg14: memref<!tpu.dma_semaphore, #tpu.memory_space<semaphore_mem>>, %arg15: memref<!tpu.dma_semaphore, #tpu.memory_space<semaphore_mem>>, %arg16: memref<!tpu.dma_semaphore, #tpu.memory_space<semaphore_mem>>, %arg17: memref<!tpu.dma_semaphore, #tpu.memory_space<semaphore_mem>>) attributes {dimension_semantics = [#tpu.dimension_semantics<core_parallel>, #tpu.dimension_semantics<subcore_parallel>], iteration_bounds = array<i64: 2, 16>, scalar_prefetch = 0 : i64, scratch_operands = 11 : i64, tpu.core_type = #tpu.core_type<sc_vector_subcore>, window_params = [{transform_indices = #map}, {transform_indices = #map1}, {transform_indices = #map1}, {transform_indices = #map}, {transform_indices = #map}]} {
    %mul3A = arith.constant 640 : i32
    %mul3A_0 = arith.muli %arg1, %mul3A : i32
    "tpu.region"() ({
      %run_scoped3A = tpu.sem_alloc : memref<!tpu.dma_semaphore, #tpu.memory_space<semaphore_mem>>
      %dma_start3A_26 = arith.constant 0 : i32
      %dma_start3A_27 = tpu.memref_slice %arg13[%mul3A_0, %dma_start3A_26] : memref<10240x128xf32, #tpu.memory_space<vmem_shared>> -> memref<640x128xf32, #tpu.memory_space<vmem_shared>>
      %dma_start3A_28 = arith.constant 0 : i32
      %dma_start3A_29 = tpu.memref_slice %arg5[%mul3A_0, %dma_start3A_28] : memref<10240x128xf32, #tpu.memory_space<hbm>> -> memref<640x128xf32, #tpu.memory_space<hbm>>
      tpu.enqueue_dma source(%dma_start3A_29 : memref<640x128xf32, #tpu.memory_space<hbm>>) target(%dma_start3A_27 : memref<640x128xf32, #tpu.memory_space<vmem_shared>>) target_semaphore(%run_scoped3A : memref<!tpu.dma_semaphore, #tpu.memory_space<semaphore_mem>>)
      %dma_wait3A_30 = arith.constant 0 : i32
      %dma_wait3A_31 = tpu.memref_slice %arg13[%mul3A_0, %dma_wait3A_30] : memref<10240x128xf32, #tpu.memory_space<vmem_shared>> -> memref<640x128xf32, #tpu.memory_space<vmem_shared>>
      %dma_wait3A_32 = arith.constant 0 : i32
      %dma_wait3A_33 = tpu.memref_slice %arg5[%mul3A_0, %dma_wait3A_32] : memref<10240x128xf32, #tpu.memory_space<hbm>> -> memref<640x128xf32, #tpu.memory_space<hbm>>
      tpu.wait_dma2 semaphore(%run_scoped3A : memref<!tpu.dma_semaphore, #tpu.memory_space<semaphore_mem>>) src(%dma_wait3A_33 : memref<640x128xf32, #tpu.memory_space<hbm>>) dst(%dma_wait3A_31 : memref<640x128xf32, #tpu.memory_space<vmem_shared>>)
      tpu.yield
    }) : () -> ()
    %barrier3A = arith.constant 0 : index
    tpu.barrier barrier_id(%barrier3A)
    %mul3A_1 = arith.constant 16 : i32
    %mul3A_2 = arith.muli %arg0, %mul3A_1 : i32
    %add3A = arith.addi %mul3A_2, %arg1 : i32
    %mul3A_3 = arith.constant 79 : i32
    %mul3A_4 = arith.muli %add3A, %mul3A_3 : i32
    %mul3A_5 = arith.constant 128 : i32
    %mul3A_6 = arith.muli %mul3A_4, %mul3A_5 : i32
    "tpu.region"() ({
      %run_scoped3A = tpu.sem_alloc : memref<!tpu.dma_semaphore, #tpu.memory_space<semaphore_mem>>
      %dma_start3A_26 = tpu.memref_slice %arg3[%mul3A_6] : memref<323584xi32, #tpu.memory_space<hbm>> -> memref<128xi32, #tpu.memory_space<hbm>>
      %dma_start3A_27 = tpu.memref_slice %arg3[%mul3A_6] : memref<323584xi32, #tpu.memory_space<hbm>> -> memref<128xi32, #tpu.memory_space<hbm>>
      tpu.enqueue_dma source(%dma_start3A_27 : memref<128xi32, #tpu.memory_space<hbm>>) target(%arg7 : memref<128xi32, #tpu.memory_space<vmem>>) target_semaphore(%run_scoped3A : memref<!tpu.dma_semaphore, #tpu.memory_space<semaphore_mem>>)
      %dma_wait3A_28 = tpu.memref_slice %arg3[%mul3A_6] : memref<323584xi32, #tpu.memory_space<hbm>> -> memref<128xi32, #tpu.memory_space<hbm>>
      %dma_wait3A_29 = tpu.memref_slice %arg3[%mul3A_6] : memref<323584xi32, #tpu.memory_space<hbm>> -> memref<128xi32, #tpu.memory_space<hbm>>
      tpu.wait_dma2 semaphore(%run_scoped3A : memref<!tpu.dma_semaphore, #tpu.memory_space<semaphore_mem>>) src(%dma_wait3A_29 : memref<128xi32, #tpu.memory_space<hbm>>) dst(%arg7 : memref<128xi32, #tpu.memory_space<vmem>>)
      tpu.yield
    }) : () -> ()
    "tpu.region"() ({
      %run_scoped3A = tpu.sem_alloc : memref<!tpu.dma_semaphore, #tpu.memory_space<semaphore_mem>>
      %dma_start3A_26 = tpu.memref_slice %arg4[%mul3A_6] : memref<323584xi32, #tpu.memory_space<hbm>> -> memref<128xi32, #tpu.memory_space<hbm>>
      %dma_start3A_27 = tpu.memref_slice %arg4[%mul3A_6] : memref<323584xi32, #tpu.memory_space<hbm>> -> memref<128xi32, #tpu.memory_space<hbm>>
      tpu.enqueue_dma source(%dma_start3A_27 : memref<128xi32, #tpu.memory_space<hbm>>) target(%arg8 : memref<128xi32, #tpu.memory_space<vmem>>) target_semaphore(%run_scoped3A : memref<!tpu.dma_semaphore, #tpu.memory_space<semaphore_mem>>)
      %dma_wait3A_28 = tpu.memref_slice %arg4[%mul3A_6] : memref<323584xi32, #tpu.memory_space<hbm>> -> memref<128xi32, #tpu.memory_space<hbm>>
      %dma_wait3A_29 = tpu.memref_slice %arg4[%mul3A_6] : memref<323584xi32, #tpu.memory_space<hbm>> -> memref<128xi32, #tpu.memory_space<hbm>>
      tpu.wait_dma2 semaphore(%run_scoped3A : memref<!tpu.dma_semaphore, #tpu.memory_space<semaphore_mem>>) src(%dma_wait3A_29 : memref<128xi32, #tpu.memory_space<hbm>>) dst(%arg8 : memref<128xi32, #tpu.memory_space<vmem>>)
      tpu.yield
    }) : () -> ()
    %scan3A = arith.constant 0 : i32
    %scan3A_7 = arith.constant 39 : i32
    %scan3A_8 = arith.addi %scan3A, %scan3A_7 : i32
    %scan3A_9 = arith.constant 1 : i32
    scf.for %scan3A_26 = %scan3A to %scan3A_8 step %scan3A_9  : i32 {
      %mul3A_27 = arith.constant 1 : i32
      %mul3A_28 = arith.muli %scan3A_26, %mul3A_27 : i32
      %add3A_29 = arith.constant 0 : i32
      %add3A_30 = arith.addi %add3A_29, %mul3A_28 : i32
      %mul3A_31 = arith.constant 79 : i32
      %mul3A_32 = arith.muli %add3A, %mul3A_31 : i32
      %mul3A_33 = arith.constant 2 : i32
      %mul3A_34 = arith.muli %mul3A_33, %add3A_30 : i32
      %add3A_35 = arith.addi %mul3A_32, %mul3A_34 : i32
      %mul3A_36 = arith.constant 128 : i32
      %mul3A_37 = arith.muli %add3A_35, %mul3A_36 : i32
      %dma_start3A_38 = arith.constant 0 : i32
      %dma_start3A_39 = arith.constant 0 : i32
      %dma_start3A_40 = tpu.memref_slice %arg2[%dma_start3A_38, %dma_start3A_39] : memref<10240x128xf32, #tpu.memory_space<hbm>> -> memref<10240x128xf32, #tpu.memory_space<hbm>>
      tpu.enqueue_indirect_dma source(%dma_start3A_40 : memref<10240x128xf32, #tpu.memory_space<hbm>>) target(%arg11 : memref<128x128xf32, #tpu.memory_space<vmem>>) offsets(%arg7 : memref<128xi32, #tpu.memory_space<vmem>>) semaphore(%arg14 : memref<!tpu.dma_semaphore, #tpu.memory_space<semaphore_mem>>)
      %add3A_41 = arith.constant 128 : i32
      %add3A_42 = arith.addi %mul3A_37, %add3A_41 : i32
      "tpu.region"() ({
        %run_scoped3A = tpu.sem_alloc : memref<!tpu.dma_semaphore, #tpu.memory_space<semaphore_mem>>
        %dma_start3A_77 = tpu.memref_slice %arg3[%add3A_42] : memref<323584xi32, #tpu.memory_space<hbm>> -> memref<128xi32, #tpu.memory_space<hbm>>
        %dma_start3A_78 = tpu.memref_slice %arg3[%add3A_42] : memref<323584xi32, #tpu.memory_space<hbm>> -> memref<128xi32, #tpu.memory_space<hbm>>
        tpu.enqueue_dma source(%dma_start3A_78 : memref<128xi32, #tpu.memory_space<hbm>>) target(%arg9 : memref<128xi32, #tpu.memory_space<vmem>>) target_semaphore(%run_scoped3A : memref<!tpu.dma_semaphore, #tpu.memory_space<semaphore_mem>>)
        %dma_wait3A_79 = tpu.memref_slice %arg3[%add3A_42] : memref<323584xi32, #tpu.memory_space<hbm>> -> memref<128xi32, #tpu.memory_space<hbm>>
        %dma_wait3A_80 = tpu.memref_slice %arg3[%add3A_42] : memref<323584xi32, #tpu.memory_space<hbm>> -> memref<128xi32, #tpu.memory_space<hbm>>
        tpu.wait_dma2 semaphore(%run_scoped3A : memref<!tpu.dma_semaphore, #tpu.memory_space<semaphore_mem>>) src(%dma_wait3A_80 : memref<128xi32, #tpu.memory_space<hbm>>) dst(%arg9 : memref<128xi32, #tpu.memory_space<vmem>>)
        tpu.yield
      }) : () -> ()
      %add3A_43 = arith.constant 128 : i32
      %add3A_44 = arith.addi %mul3A_37, %add3A_43 : i32
      "tpu.region"() ({
        %run_scoped3A = tpu.sem_alloc : memref<!tpu.dma_semaphore, #tpu.memory_space<semaphore_mem>>
        %dma_start3A_77 = tpu.memref_slice %arg4[%add3A_44] : memref<323584xi32, #tpu.memory_space<hbm>> -> memref<128xi32, #tpu.memory_space<hbm>>
        %dma_start3A_78 = tpu.memref_slice %arg4[%add3A_44] : memref<323584xi32, #tpu.memory_space<hbm>> -> memref<128xi32, #tpu.memory_space<hbm>>
        tpu.enqueue_dma source(%dma_start3A_78 : memref<128xi32, #tpu.memory_space<hbm>>) target(%arg10 : memref<128xi32, #tpu.memory_space<vmem>>) target_semaphore(%run_scoped3A : memref<!tpu.dma_semaphore, #tpu.memory_space<semaphore_mem>>)
        %dma_wait3A_79 = tpu.memref_slice %arg4[%add3A_44] : memref<323584xi32, #tpu.memory_space<hbm>> -> memref<128xi32, #tpu.memory_space<hbm>>
        %dma_wait3A_80 = tpu.memref_slice %arg4[%add3A_44] : memref<323584xi32, #tpu.memory_space<hbm>> -> memref<128xi32, #tpu.memory_space<hbm>>
        tpu.wait_dma2 semaphore(%run_scoped3A : memref<!tpu.dma_semaphore, #tpu.memory_space<semaphore_mem>>) src(%dma_wait3A_80 : memref<128xi32, #tpu.memory_space<hbm>>) dst(%arg10 : memref<128xi32, #tpu.memory_space<vmem>>)
        tpu.yield
      }) : () -> ()
      %dma_start3A_45 = arith.constant 0 : i32
      %dma_start3A_46 = arith.constant 0 : i32
      %dma_start3A_47 = tpu.memref_slice %arg2[%dma_start3A_45, %dma_start3A_46] : memref<10240x128xf32, #tpu.memory_space<hbm>> -> memref<10240x128xf32, #tpu.memory_space<hbm>>
      tpu.enqueue_indirect_dma source(%dma_start3A_47 : memref<10240x128xf32, #tpu.memory_space<hbm>>) target(%arg12 : memref<128x128xf32, #tpu.memory_space<vmem>>) offsets(%arg9 : memref<128xi32, #tpu.memory_space<vmem>>) semaphore(%arg15 : memref<!tpu.dma_semaphore, #tpu.memory_space<semaphore_mem>>)
      %dma_wait3A_48 = arith.constant 0 : i32
      %dma_wait3A_49 = arith.constant 0 : i32
      %dma_wait3A_50 = tpu.memref_slice %arg2[%dma_wait3A_48, %dma_wait3A_49] : memref<10240x128xf32, #tpu.memory_space<hbm>> -> memref<10240x128xf32, #tpu.memory_space<hbm>>
      tpu.wait_indirect_dma semaphore(%arg14 : memref<!tpu.dma_semaphore, #tpu.memory_space<semaphore_mem>>) src(%dma_wait3A_50 : memref<10240x128xf32, #tpu.memory_space<hbm>>) dst(%arg11 : memref<128x128xf32, #tpu.memory_space<vmem>>)
      %dma_start3A_51 = arith.constant 0 : i32
      %dma_start3A_52 = arith.constant 0 : i32
      %dma_start3A_53 = tpu.memref_slice %arg13[%dma_start3A_51, %dma_start3A_52] : memref<10240x128xf32, #tpu.memory_space<vmem_shared>> -> memref<10240x128xf32, #tpu.memory_space<vmem_shared>>
      tpu.enqueue_indirect_dma source(%arg11 : memref<128x128xf32, #tpu.memory_space<vmem>>) target(%dma_start3A_53 : memref<10240x128xf32, #tpu.memory_space<vmem_shared>>) offsets(%arg8 : memref<128xi32, #tpu.memory_space<vmem>>) semaphore(%arg16 : memref<!tpu.dma_semaphore, #tpu.memory_space<semaphore_mem>>) {add = true}
      %add3A_54 = arith.constant 1 : i32
      %add3A_55 = arith.addi %add3A_30, %add3A_54 : i32
      %lt3A = arith.constant 39 : i32
      %lt3A_56 = arith.cmpi slt, %add3A_55, %lt3A : i32
      %convert_element_type3A = arith.extui %lt3A_56 : i1 to i32
      %cond3A = arith.constant 0 : i32
      %cond3A_57 = arith.cmpi ne, %convert_element_type3A, %cond3A : i32
      scf.if %cond3A_57 {
        %add3A_77 = arith.constant 256 : i32
        %add3A_78 = arith.addi %mul3A_37, %add3A_77 : i32
        "tpu.region"() ({
          %run_scoped3A = tpu.sem_alloc : memref<!tpu.dma_semaphore, #tpu.memory_space<semaphore_mem>>
          %dma_start3A_79 = tpu.memref_slice %arg3[%add3A_78] : memref<323584xi32, #tpu.memory_space<hbm>> -> memref<128xi32, #tpu.memory_space<hbm>>
          %dma_start3A_80 = tpu.memref_slice %arg3[%add3A_78] : memref<323584xi32, #tpu.memory_space<hbm>> -> memref<128xi32, #tpu.memory_space<hbm>>
          tpu.enqueue_dma source(%dma_start3A_80 : memref<128xi32, #tpu.memory_space<hbm>>) target(%arg7 : memref<128xi32, #tpu.memory_space<vmem>>) target_semaphore(%run_scoped3A : memref<!tpu.dma_semaphore, #tpu.memory_space<semaphore_mem>>)
          %dma_wait3A_81 = tpu.memref_slice %arg3[%add3A_78] : memref<323584xi32, #tpu.memory_space<hbm>> -> memref<128xi32, #tpu.memory_space<hbm>>
          %dma_wait3A_82 = tpu.memref_slice %arg3[%add3A_78] : memref<323584xi32, #tpu.memory_space<hbm>> -> memref<128xi32, #tpu.memory_space<hbm>>
          tpu.wait_dma2 semaphore(%run_scoped3A : memref<!tpu.dma_semaphore, #tpu.memory_space<semaphore_mem>>) src(%dma_wait3A_82 : memref<128xi32, #tpu.memory_space<hbm>>) dst(%arg7 : memref<128xi32, #tpu.memory_space<vmem>>)
          tpu.yield
        }) : () -> ()
      } else {
      }
      %dma_wait3A_58 = arith.constant 0 : i32
      %dma_wait3A_59 = arith.constant 0 : i32
      %dma_wait3A_60 = tpu.memref_slice %arg2[%dma_wait3A_58, %dma_wait3A_59] : memref<10240x128xf32, #tpu.memory_space<hbm>> -> memref<10240x128xf32, #tpu.memory_space<hbm>>
      tpu.wait_indirect_dma semaphore(%arg15 : memref<!tpu.dma_semaphore, #tpu.memory_space<semaphore_mem>>) src(%dma_wait3A_60 : memref<10240x128xf32, #tpu.memory_space<hbm>>) dst(%arg12 : memref<128x128xf32, #tpu.memory_space<vmem>>)
      %dma_wait3A_61 = arith.constant 0 : i32
      %dma_wait3A_62 = arith.constant 0 : i32
      %dma_wait3A_63 = tpu.memref_slice %arg13[%dma_wait3A_61, %dma_wait3A_62] : memref<10240x128xf32, #tpu.memory_space<vmem_shared>> -> memref<10240x128xf32, #tpu.memory_space<vmem_shared>>
      tpu.wait_indirect_dma semaphore(%arg16 : memref<!tpu.dma_semaphore, #tpu.memory_space<semaphore_mem>>) src(%arg11 : memref<128x128xf32, #tpu.memory_space<vmem>>) dst(%dma_wait3A_63 : memref<10240x128xf32, #tpu.memory_space<vmem_shared>>)
      %dma_start3A_64 = arith.constant 0 : i32
      %dma_start3A_65 = arith.constant 0 : i32
      %dma_start3A_66 = tpu.memref_slice %arg13[%dma_start3A_64, %dma_start3A_65] : memref<10240x128xf32, #tpu.memory_space<vmem_shared>> -> memref<10240x128xf32, #tpu.memory_space<vmem_shared>>
      tpu.enqueue_indirect_dma source(%arg12 : memref<128x128xf32, #tpu.memory_space<vmem>>) target(%dma_start3A_66 : memref<10240x128xf32, #tpu.memory_space<vmem_shared>>) offsets(%arg10 : memref<128xi32, #tpu.memory_space<vmem>>) semaphore(%arg17 : memref<!tpu.dma_semaphore, #tpu.memory_space<semaphore_mem>>) {add = true}
      %add3A_67 = arith.constant 1 : i32
      %add3A_68 = arith.addi %add3A_30, %add3A_67 : i32
      %lt3A_69 = arith.constant 39 : i32
      %lt3A_70 = arith.cmpi slt, %add3A_68, %lt3A_69 : i32
      %convert_element_type3A_71 = arith.extui %lt3A_70 : i1 to i32
      %cond3A_72 = arith.constant 0 : i32
      %cond3A_73 = arith.cmpi ne, %convert_element_type3A_71, %cond3A_72 : i32
      scf.if %cond3A_73 {
        %add3A_77 = arith.constant 256 : i32
        %add3A_78 = arith.addi %mul3A_37, %add3A_77 : i32
        "tpu.region"() ({
          %run_scoped3A = tpu.sem_alloc : memref<!tpu.dma_semaphore, #tpu.memory_space<semaphore_mem>>
          %dma_start3A_79 = tpu.memref_slice %arg4[%add3A_78] : memref<323584xi32, #tpu.memory_space<hbm>> -> memref<128xi32, #tpu.memory_space<hbm>>
          %dma_start3A_80 = tpu.memref_slice %arg4[%add3A_78] : memref<323584xi32, #tpu.memory_space<hbm>> -> memref<128xi32, #tpu.memory_space<hbm>>
          tpu.enqueue_dma source(%dma_start3A_80 : memref<128xi32, #tpu.memory_space<hbm>>) target(%arg8 : memref<128xi32, #tpu.memory_space<vmem>>) target_semaphore(%run_scoped3A : memref<!tpu.dma_semaphore, #tpu.memory_space<semaphore_mem>>)
          %dma_wait3A_81 = tpu.memref_slice %arg4[%add3A_78] : memref<323584xi32, #tpu.memory_space<hbm>> -> memref<128xi32, #tpu.memory_space<hbm>>
          %dma_wait3A_82 = tpu.memref_slice %arg4[%add3A_78] : memref<323584xi32, #tpu.memory_space<hbm>> -> memref<128xi32, #tpu.memory_space<hbm>>
          tpu.wait_dma2 semaphore(%run_scoped3A : memref<!tpu.dma_semaphore, #tpu.memory_space<semaphore_mem>>) src(%dma_wait3A_82 : memref<128xi32, #tpu.memory_space<hbm>>) dst(%arg8 : memref<128xi32, #tpu.memory_space<vmem>>)
          tpu.yield
        }) : () -> ()
      } else {
      }
      %dma_wait3A_74 = arith.constant 0 : i32
      %dma_wait3A_75 = arith.constant 0 : i32
      %dma_wait3A_76 = tpu.memref_slice %arg13[%dma_wait3A_74, %dma_wait3A_75] : memref<10240x128xf32, #tpu.memory_space<vmem_shared>> -> memref<10240x128xf32, #tpu.memory_space<vmem_shared>>
      tpu.wait_indirect_dma semaphore(%arg17 : memref<!tpu.dma_semaphore, #tpu.memory_space<semaphore_mem>>) src(%arg12 : memref<128x128xf32, #tpu.memory_space<vmem>>) dst(%dma_wait3A_76 : memref<10240x128xf32, #tpu.memory_space<vmem_shared>>)
    }
    %scan3A_10 = arith.constant 39 : i32
    %mul3A_11 = arith.constant 79 : i32
    %mul3A_12 = arith.muli %add3A, %mul3A_11 : i32
    %add3A_13 = arith.constant 79 : i32
    %add3A_14 = arith.addi %mul3A_12, %add3A_13 : i32
    %sub3A = arith.constant 1 : i32
    %sub3A_15 = arith.subi %add3A_14, %sub3A : i32
    %mul3A_16 = arith.constant 128 : i32
    %mul3A_17 = arith.muli %sub3A_15, %mul3A_16 : i32
    "tpu.region"() ({
      %run_scoped3A = tpu.sem_alloc : memref<!tpu.dma_semaphore, #tpu.memory_space<semaphore_mem>>
      %dma_start3A_26 = tpu.memref_slice %arg3[%mul3A_17] : memref<323584xi32, #tpu.memory_space<hbm>> -> memref<128xi32, #tpu.memory_space<hbm>>
      %dma_start3A_27 = tpu.memref_slice %arg3[%mul3A_17] : memref<323584xi32, #tpu.memory_space<hbm>> -> memref<128xi32, #tpu.memory_space<hbm>>
      tpu.enqueue_dma source(%dma_start3A_27 : memref<128xi32, #tpu.memory_space<hbm>>) target(%arg7 : memref<128xi32, #tpu.memory_space<vmem>>) target_semaphore(%run_scoped3A : memref<!tpu.dma_semaphore, #tpu.memory_space<semaphore_mem>>)
      %dma_wait3A_28 = tpu.memref_slice %arg3[%mul3A_17] : memref<323584xi32, #tpu.memory_space<hbm>> -> memref<128xi32, #tpu.memory_space<hbm>>
      %dma_wait3A_29 = tpu.memref_slice %arg3[%mul3A_17] : memref<323584xi32, #tpu.memory_space<hbm>> -> memref<128xi32, #tpu.memory_space<hbm>>
      tpu.wait_dma2 semaphore(%run_scoped3A : memref<!tpu.dma_semaphore, #tpu.memory_space<semaphore_mem>>) src(%dma_wait3A_29 : memref<128xi32, #tpu.memory_space<hbm>>) dst(%arg7 : memref<128xi32, #tpu.memory_space<vmem>>)
      tpu.yield
    }) : () -> ()
    "tpu.region"() ({
      %run_scoped3A = tpu.sem_alloc : memref<!tpu.dma_semaphore, #tpu.memory_space<semaphore_mem>>
      %dma_start3A_26 = tpu.memref_slice %arg4[%mul3A_17] : memref<323584xi32, #tpu.memory_space<hbm>> -> memref<128xi32, #tpu.memory_space<hbm>>
      %dma_start3A_27 = tpu.memref_slice %arg4[%mul3A_17] : memref<323584xi32, #tpu.memory_space<hbm>> -> memref<128xi32, #tpu.memory_space<hbm>>
      tpu.enqueue_dma source(%dma_start3A_27 : memref<128xi32, #tpu.memory_space<hbm>>) target(%arg8 : memref<128xi32, #tpu.memory_space<vmem>>) target_semaphore(%run_scoped3A : memref<!tpu.dma_semaphore, #tpu.memory_space<semaphore_mem>>)
      %dma_wait3A_28 = tpu.memref_slice %arg4[%mul3A_17] : memref<323584xi32, #tpu.memory_space<hbm>> -> memref<128xi32, #tpu.memory_space<hbm>>
      %dma_wait3A_29 = tpu.memref_slice %arg4[%mul3A_17] : memref<323584xi32, #tpu.memory_space<hbm>> -> memref<128xi32, #tpu.memory_space<hbm>>
      tpu.wait_dma2 semaphore(%run_scoped3A : memref<!tpu.dma_semaphore, #tpu.memory_space<semaphore_mem>>) src(%dma_wait3A_29 : memref<128xi32, #tpu.memory_space<hbm>>) dst(%arg8 : memref<128xi32, #tpu.memory_space<vmem>>)
      tpu.yield
    }) : () -> ()
    %dma_start3A = arith.constant 0 : i32
    %dma_start3A_18 = arith.constant 0 : i32
    %dma_start3A_19 = tpu.memref_slice %arg2[%dma_start3A, %dma_start3A_18] : memref<10240x128xf32, #tpu.memory_space<hbm>> -> memref<10240x128xf32, #tpu.memory_space<hbm>>
    tpu.enqueue_indirect_dma source(%dma_start3A_19 : memref<10240x128xf32, #tpu.memory_space<hbm>>) target(%arg11 : memref<128x128xf32, #tpu.memory_space<vmem>>) offsets(%arg7 : memref<128xi32, #tpu.memory_space<vmem>>) semaphore(%arg14 : memref<!tpu.dma_semaphore, #tpu.memory_space<semaphore_mem>>)
    %dma_wait3A = arith.constant 0 : i32
    %dma_wait3A_20 = arith.constant 0 : i32
    %dma_wait3A_21 = tpu.memref_slice %arg2[%dma_wait3A, %dma_wait3A_20] : memref<10240x128xf32, #tpu.memory_space<hbm>> -> memref<10240x128xf32, #tpu.memory_space<hbm>>
    tpu.wait_indirect_dma semaphore(%arg14 : memref<!tpu.dma_semaphore, #tpu.memory_space<semaphore_mem>>) src(%dma_wait3A_21 : memref<10240x128xf32, #tpu.memory_space<hbm>>) dst(%arg11 : memref<128x128xf32, #tpu.memory_space<vmem>>)
    "tpu.region"() ({
      %run_scoped3A = tpu.sem_alloc : memref<!tpu.dma_semaphore, #tpu.memory_space<semaphore_mem>>
      %dma_start3A_26 = arith.constant 0 : i32
      %dma_start3A_27 = arith.constant 0 : i32
      %dma_start3A_28 = tpu.memref_slice %arg13[%dma_start3A_26, %dma_start3A_27] : memref<10240x128xf32, #tpu.memory_space<vmem_shared>> -> memref<10240x128xf32, #tpu.memory_space<vmem_shared>>
      tpu.enqueue_indirect_dma source(%arg11 : memref<128x128xf32, #tpu.memory_space<vmem>>) target(%dma_start3A_28 : memref<10240x128xf32, #tpu.memory_space<vmem_shared>>) offsets(%arg8 : memref<128xi32, #tpu.memory_space<vmem>>) semaphore(%run_scoped3A : memref<!tpu.dma_semaphore, #tpu.memory_space<semaphore_mem>>) {add = true}
      %dma_wait3A_29 = arith.constant 0 : i32
      %dma_wait3A_30 = arith.constant 0 : i32
      %dma_wait3A_31 = tpu.memref_slice %arg13[%dma_wait3A_29, %dma_wait3A_30] : memref<10240x128xf32, #tpu.memory_space<vmem_shared>> -> memref<10240x128xf32, #tpu.memory_space<vmem_shared>>
      tpu.wait_indirect_dma semaphore(%run_scoped3A : memref<!tpu.dma_semaphore, #tpu.memory_space<semaphore_mem>>) src(%arg11 : memref<128x128xf32, #tpu.memory_space<vmem>>) dst(%dma_wait3A_31 : memref<10240x128xf32, #tpu.memory_space<vmem_shared>>)
      tpu.yield
    }) : () -> ()
    %barrier3A_22 = arith.constant 0 : index
    tpu.barrier barrier_id(%barrier3A_22)
    %mul3A_23 = arith.constant 10240 : i32
    %mul3A_24 = arith.muli %arg0, %mul3A_23 : i32
    %add3A_25 = arith.addi %mul3A_24, %mul3A_0 : i32
    "tpu.region"() ({
      %run_scoped3A = tpu.sem_alloc : memref<!tpu.dma_semaphore, #tpu.memory_space<semaphore_mem>>
      %dma_start3A_26 = arith.constant 0 : i32
      %dma_start3A_27 = tpu.memref_slice %arg6[%add3A_25, %dma_start3A_26] : memref<20480x128xf32, #tpu.memory_space<hbm>> -> memref<640x128xf32, #tpu.memory_space<hbm>>
      %dma_start3A_28 = arith.constant 0 : i32
      %dma_start3A_29 = tpu.memref_slice %arg13[%mul3A_0, %dma_start3A_28] : memref<10240x128xf32, #tpu.memory_space<vmem_shared>> -> memref<640x128xf32, #tpu.memory_space<vmem_shared>>
      tpu.enqueue_dma source(%dma_start3A_29 : memref<640x128xf32, #tpu.memory_space<vmem_shared>>) target(%dma_start3A_27 : memref<640x128xf32, #tpu.memory_space<hbm>>) target_semaphore(%run_scoped3A : memref<!tpu.dma_semaphore, #tpu.memory_space<semaphore_mem>>)
      %dma_wait3A_30 = arith.constant 0 : i32
      %dma_wait3A_31 = tpu.memref_slice %arg6[%add3A_25, %dma_wait3A_30] : memref<20480x128xf32, #tpu.memory_space<hbm>> -> memref<640x128xf32, #tpu.memory_space<hbm>>
      %dma_wait3A_32 = arith.constant 0 : i32
      %dma_wait3A_33 = tpu.memref_slice %arg13[%mul3A_0, %dma_wait3A_32] : memref<10240x128xf32, #tpu.memory_space<vmem_shared>> -> memref<640x128xf32, #tpu.memory_space<vmem_shared>>
      tpu.wait_dma2 semaphore(%run_scoped3A : memref<!tpu.dma_semaphore, #tpu.memory_space<semaphore_mem>>) src(%dma_wait3A_33 : memref<640x128xf32, #tpu.memory_space<vmem_shared>>) dst(%dma_wait3A_31 : memref<640x128xf32, #tpu.memory_space<hbm>>)
      tpu.yield
    }) : () -> ()
    return
  }
}

module attributes {stable_mosaic.version = 14 : i64} {
  func.func @body(%arg0: i32, %arg1: memref<2x1024x128xf32, #tpu.memory_space<vmem>>, %arg2: memref<1024x128xf32, #tpu.memory_space<vmem>>, %arg3: memref<2x1024x128xf32, #tpu.memory_space<vmem>>, %arg4: memref<1x128xf32, #tpu.memory_space<vmem>>, %arg5: memref<1024x128xf32, #tpu.memory_space<vmem>>) attributes {dimension_semantics = [#tpu.dimension_semantics<arbitrary>], iteration_bounds = array<i64: 10>, scalar_prefetch = 0 : i64, scratch_operands = 0 : i64, tpu.core_type = #tpu.core_type<tc>, window_params = [{transform_indices = @transform_0, window_bounds = array<i64: 2, 1024, 128>}, {transform_indices = @transform_1, window_bounds = array<i64: 1024, 128>}, {transform_indices = @transform_2, window_bounds = array<i64: 2, 1024, 128>}, {pipeline_mode = #tpu.pipeline_mode<synchronous>, transform_indices = @transform_3, window_bounds = array<i64: 1, 128>}, {transform_indices = @transform_4, window_bounds = array<i64: 1024, 128>}]} {
    %get3A = arith.constant 0 : index
    %get3A_0 = arith.constant 0 : index
    %get3A_1 = arith.constant 0 : index
    %get3A_2 = vector.load %arg3[%get3A, %get3A_0, %get3A_1] : memref<2x1024x128xf32, #tpu.memory_space<vmem>>, vector<2x1024x128xf32>
    %slice3A = vector.extract_strided_slice %get3A_2 {offsets = [0, 0, 0], sizes = [1, 1024, 1], strides = [1, 1, 1]} : vector<2x1024x128xf32> to vector<1x1024x1xf32>
    %squeeze3A = vector.shape_cast %slice3A : vector<1x1024x1xf32> to vector<1024x1xf32>
    %slice3A_3 = vector.extract_strided_slice %get3A_2 {offsets = [1, 0, 0], sizes = [1, 1024, 1], strides = [1, 1, 1]} : vector<2x1024x128xf32> to vector<1x1024x1xf32>
    %squeeze3A_4 = vector.shape_cast %slice3A_3 : vector<1x1024x1xf32> to vector<1024x1xf32>
    %add3A = arith.addf %squeeze3A, %squeeze3A_4 : vector<1024x1xf32>
    %add3A_5 = arith.constant 1.000000e+00 : f32
    %add3A_6 = vector.broadcast %add3A_5 : f32 to vector<1024x1xf32>
    %add3A_7 = arith.addf %add3A, %add3A_6 : vector<1024x1xf32>
    %rsqrt3A = math.rsqrt %add3A_7 : vector<1024x1xf32>
    %get3A_8 = arith.constant 0 : index
    %get3A_9 = arith.constant 0 : index
    %get3A_10 = arith.constant 0 : index
    %get3A_11 = vector.load %arg1[%get3A_8, %get3A_9, %get3A_10] : memref<2x1024x128xf32, #tpu.memory_space<vmem>>, vector<2x1024x128xf32>
    %slice3A_12 = vector.extract_strided_slice %get3A_11 {offsets = [0, 0, 0], sizes = [1, 1024, 128], strides = [1, 1, 1]} : vector<2x1024x128xf32> to vector<1x1024x128xf32>
    %squeeze3A_13 = vector.shape_cast %slice3A_12 : vector<1x1024x128xf32> to vector<1024x128xf32>
    %slice3A_14 = vector.extract_strided_slice %get3A_11 {offsets = [1, 0, 0], sizes = [1, 1024, 128], strides = [1, 1, 1]} : vector<2x1024x128xf32> to vector<1x1024x128xf32>
    %squeeze3A_15 = vector.shape_cast %slice3A_14 : vector<1x1024x128xf32> to vector<1024x128xf32>
    %add3A_16 = arith.addf %squeeze3A_13, %squeeze3A_15 : vector<1024x128xf32>
    %get3A_17 = arith.constant 0 : index
    %get3A_18 = arith.constant 0 : index
    %get3A_19 = vector.load %arg2[%get3A_17, %get3A_18] : memref<1024x128xf32, #tpu.memory_space<vmem>>, vector<1024x128xf32>
    %add3A_20 = arith.addf %add3A_16, %get3A_19 : vector<1024x128xf32>
    %mul3A = vector.broadcast %rsqrt3A : vector<1024x1xf32> to vector<1024x128xf32>
    %mul3A_21 = arith.mulf %mul3A, %add3A_20 : vector<1024x128xf32>
    %get3A_22 = arith.constant 0 : index
    %get3A_23 = arith.constant 0 : index
    %get3A_24 = vector.load %arg4[%get3A_22, %get3A_23] : memref<1x128xf32, #tpu.memory_space<vmem>>, vector<1x128xf32>
    %add3A_25 = vector.broadcast %get3A_24 : vector<1x128xf32> to vector<1024x128xf32>
    %add3A_26 = arith.addf %mul3A_21, %add3A_25 : vector<1024x128xf32>
    %logistic3A = arith.negf %add3A_26 : vector<1024x128xf32>
    %logistic3A_27 = math.exp %logistic3A : vector<1024x128xf32>
    %logistic3A_28 = arith.constant 1.000000e+00 : f32
    %logistic3A_29 = vector.broadcast %logistic3A_28 : f32 to vector<1024x128xf32>
    %logistic3A_30 = arith.addf %logistic3A_29, %logistic3A_27 : vector<1024x128xf32>
    %logistic3A_31 = arith.divf %logistic3A_29, %logistic3A_30 : vector<1024x128xf32>
    %swap3A = arith.constant 0 : index
    %swap3A_32 = arith.constant 0 : index
    %swap3A_33 = vector.load %arg5[%swap3A, %swap3A_32] : memref<1024x128xf32, #tpu.memory_space<vmem>>, vector<1024x128xf32>
    tpu.vector_store %arg5[%swap3A, %swap3A_32], %logistic3A_31 {strides = array<i32>} : memref<1024x128xf32, #tpu.memory_space<vmem>>, vector<1024x128xf32>,
    return
  }
  func.func @transform_0(%arg0: i32) -> (i32, i32, i32) {
    %c0_i32 = arith.constant 0 : i32
    %c0_i32_0 = arith.constant 0 : i32
    %c0_i32_1 = arith.constant 0 : i32
    return %c0_i32, %arg0, %c0_i32_0 : i32, i32, i32
  }
  func.func @transform_1(%arg0: i32) -> (i32, i32) {
    %c0_i32 = arith.constant 0 : i32
    %c0_i32_0 = arith.constant 0 : i32
    return %arg0, %c0_i32 : i32, i32
  }
  func.func @transform_2(%arg0: i32) -> (i32, i32, i32) {
    %c0_i32 = arith.constant 0 : i32
    %c0_i32_0 = arith.constant 0 : i32
    %c0_i32_1 = arith.constant 0 : i32
    return %c0_i32, %arg0, %c0_i32_0 : i32, i32, i32
  }
  func.func @transform_3(%arg0: i32) -> (i32, i32) {
    %c0_i32 = arith.constant 0 : i32
    %c0_i32_0 = arith.constant 0 : i32
    %c0_i32_1 = arith.constant 0 : i32
    return %c0_i32, %c0_i32_0 : i32, i32
  }
  func.func @transform_4(%arg0: i32) -> (i32, i32) {
    %c0_i32 = arith.constant 0 : i32
    %c0_i32_0 = arith.constant 0 : i32
    return %arg0, %c0_i32 : i32, i32
  }
}

module attributes {stable_mosaic.version = 14 : i64} {
  func.func @body(%arg0: i32, %arg1: memref<1024x128xf32, #tpu.memory_space<vmem>>, %arg2: memref<128x128xf32, #tpu.memory_space<vmem>>, %arg3: memref<2x1024x128xf32, #tpu.memory_space<vmem>>, %arg4: memref<1024x128xf32, #tpu.memory_space<vmem>>) attributes {dimension_semantics = [#tpu.dimension_semantics<arbitrary>], iteration_bounds = array<i64: 10>, scalar_prefetch = 0 : i64, scratch_operands = 0 : i64, tpu.core_type = #tpu.core_type<tc>, window_params = [{transform_indices = @transform_0, window_bounds = array<i64: 1024, 128>}, {pipeline_mode = #tpu.pipeline_mode<synchronous>, transform_indices = @transform_1, window_bounds = array<i64: 128, 128>}, {transform_indices = @transform_2, window_bounds = array<i64: 2, 1024, 128>}, {transform_indices = @transform_3, window_bounds = array<i64: 1024, 128>}]} {
    %get3A = arith.constant 0 : index
    %get3A_0 = arith.constant 0 : index
    %get3A_1 = arith.constant 0 : index
    %get3A_2 = vector.load %arg3[%get3A, %get3A_0, %get3A_1] : memref<2x1024x128xf32, #tpu.memory_space<vmem>>, vector<2x1024x128xf32>
    %slice3A = vector.extract_strided_slice %get3A_2 {offsets = [0, 0, 0], sizes = [1, 1024, 1], strides = [1, 1, 1]} : vector<2x1024x128xf32> to vector<1x1024x1xf32>
    %squeeze3A = vector.shape_cast %slice3A : vector<1x1024x1xf32> to vector<1024x1xf32>
    %slice3A_3 = vector.extract_strided_slice %get3A_2 {offsets = [1, 0, 0], sizes = [1, 1024, 1], strides = [1, 1, 1]} : vector<2x1024x128xf32> to vector<1x1024x1xf32>
    %squeeze3A_4 = vector.shape_cast %slice3A_3 : vector<1x1024x1xf32> to vector<1024x1xf32>
    %add3A = arith.addf %squeeze3A, %squeeze3A_4 : vector<1024x1xf32>
    %add3A_5 = arith.constant 1.000000e+00 : f32
    %add3A_6 = vector.broadcast %add3A_5 : f32 to vector<1024x1xf32>
    %add3A_7 = arith.addf %add3A, %add3A_6 : vector<1024x1xf32>
    %rsqrt3A = math.rsqrt %add3A_7 : vector<1024x1xf32>
    %get3A_8 = arith.constant 0 : index
    %get3A_9 = arith.constant 0 : index
    %get3A_10 = vector.load %arg1[%get3A_8, %get3A_9] : memref<1024x128xf32, #tpu.memory_space<vmem>>, vector<1024x128xf32>
    %get3A_11 = arith.constant 0 : index
    %get3A_12 = arith.constant 0 : index
    %get3A_13 = vector.load %arg2[%get3A_11, %get3A_12] : memref<128x128xf32, #tpu.memory_space<vmem>>, vector<128x128xf32>
    %dot_general3A = arith.constant dense<0.000000e+00> : vector<1024x128xf32>
    %dot_general3A_14 = tpu.matmul %get3A_10, %get3A_13, %dot_general3A {dimension_numbers = #tpu.dot_dimension_numbers<[1], [0], [0], [1], [0, 0, 1, 1], [], []>, precision = #tpu.contract_precision<fp32>, transpose_lhs_hint = false} : vector<1024x128xf32>, vector<128x128xf32>, vector<1024x128xf32> -> vector<1024x128xf32>
    %mul3A = vector.broadcast %rsqrt3A : vector<1024x1xf32> to vector<1024x128xf32>
    %mul3A_15 = arith.mulf %dot_general3A_14, %mul3A : vector<1024x128xf32>
    %swap3A = arith.constant 0 : index
    %swap3A_16 = arith.constant 0 : index
    %swap3A_17 = vector.load %arg4[%swap3A, %swap3A_16] : memref<1024x128xf32, #tpu.memory_space<vmem>>, vector<1024x128xf32>
    tpu.vector_store %arg4[%swap3A, %swap3A_16], %mul3A_15 {strides = array<i32>} : memref<1024x128xf32, #tpu.memory_space<vmem>>, vector<1024x128xf32>,
    return
  }
  func.func @transform_0(%arg0: i32) -> (i32, i32) {
    %c0_i32 = arith.constant 0 : i32
    %c0_i32_0 = arith.constant 0 : i32
    return %arg0, %c0_i32 : i32, i32
  }
  func.func @transform_1(%arg0: i32) -> (i32, i32) {
    %c0_i32 = arith.constant 0 : i32
    %c0_i32_0 = arith.constant 0 : i32
    %c0_i32_1 = arith.constant 0 : i32
    return %c0_i32, %c0_i32_0 : i32, i32
  }
  func.func @transform_2(%arg0: i32) -> (i32, i32, i32) {
    %c0_i32 = arith.constant 0 : i32
    %c0_i32_0 = arith.constant 0 : i32
    %c0_i32_1 = arith.constant 0 : i32
    return %c0_i32, %arg0, %c0_i32_0 : i32, i32, i32
  }
  func.func @transform_3(%arg0: i32) -> (i32, i32) {
    %c0_i32 = arith.constant 0 : i32
    %c0_i32_0 = arith.constant 0 : i32
    return %arg0, %c0_i32 : i32, i32
  }
}

module attributes {stable_mosaic.version = 14 : i64} {
  func.func @body(%arg0: i32, %arg1: memref<2x1024x128xf32, #tpu.memory_space<vmem>>, %arg2: memref<1024x128xf32, #tpu.memory_space<vmem>>, %arg3: memref<2x1024x128xf32, #tpu.memory_space<vmem>>, %arg4: memref<128x128xf32, #tpu.memory_space<vmem>>, %arg5: memref<1x128xf32, #tpu.memory_space<vmem>>, %arg6: memref<1024x128xf32, #tpu.memory_space<vmem>>) attributes {dimension_semantics = [#tpu.dimension_semantics<arbitrary>], iteration_bounds = array<i64: 10>, scalar_prefetch = 0 : i64, scratch_operands = 0 : i64, tpu.core_type = #tpu.core_type<tc>, window_params = [{transform_indices = @transform_0, window_bounds = array<i64: 2, 1024, 128>}, {transform_indices = @transform_1, window_bounds = array<i64: 1024, 128>}, {transform_indices = @transform_2, window_bounds = array<i64: 2, 1024, 128>}, {pipeline_mode = #tpu.pipeline_mode<synchronous>, transform_indices = @transform_3, window_bounds = array<i64: 128, 128>}, {pipeline_mode = #tpu.pipeline_mode<synchronous>, transform_indices = @transform_4, window_bounds = array<i64: 1, 128>}, {transform_indices = @transform_5, window_bounds = array<i64: 1024, 128>}]} {
    %get3A = arith.constant 0 : index
    %get3A_0 = arith.constant 0 : index
    %get3A_1 = arith.constant 0 : index
    %get3A_2 = vector.load %arg3[%get3A, %get3A_0, %get3A_1] : memref<2x1024x128xf32, #tpu.memory_space<vmem>>, vector<2x1024x128xf32>
    %slice3A = vector.extract_strided_slice %get3A_2 {offsets = [0, 0, 0], sizes = [1, 1024, 1], strides = [1, 1, 1]} : vector<2x1024x128xf32> to vector<1x1024x1xf32>
    %squeeze3A = vector.shape_cast %slice3A : vector<1x1024x1xf32> to vector<1024x1xf32>
    %slice3A_3 = vector.extract_strided_slice %get3A_2 {offsets = [1, 0, 0], sizes = [1, 1024, 1], strides = [1, 1, 1]} : vector<2x1024x128xf32> to vector<1x1024x1xf32>
    %squeeze3A_4 = vector.shape_cast %slice3A_3 : vector<1x1024x1xf32> to vector<1024x1xf32>
    %add3A = arith.addf %squeeze3A, %squeeze3A_4 : vector<1024x1xf32>
    %add3A_5 = arith.constant 1.000000e+00 : f32
    %add3A_6 = vector.broadcast %add3A_5 : f32 to vector<1024x1xf32>
    %add3A_7 = arith.addf %add3A, %add3A_6 : vector<1024x1xf32>
    %rsqrt3A = math.rsqrt %add3A_7 : vector<1024x1xf32>
    %get3A_8 = arith.constant 0 : index
    %get3A_9 = arith.constant 0 : index
    %get3A_10 = arith.constant 0 : index
    %get3A_11 = vector.load %arg1[%get3A_8, %get3A_9, %get3A_10] : memref<2x1024x128xf32, #tpu.memory_space<vmem>>, vector<2x1024x128xf32>
    %slice3A_12 = vector.extract_strided_slice %get3A_11 {offsets = [0, 0, 0], sizes = [1, 1024, 128], strides = [1, 1, 1]} : vector<2x1024x128xf32> to vector<1x1024x128xf32>
    %squeeze3A_13 = vector.shape_cast %slice3A_12 : vector<1x1024x128xf32> to vector<1024x128xf32>
    %slice3A_14 = vector.extract_strided_slice %get3A_11 {offsets = [1, 0, 0], sizes = [1, 1024, 128], strides = [1, 1, 1]} : vector<2x1024x128xf32> to vector<1x1024x128xf32>
    %squeeze3A_15 = vector.shape_cast %slice3A_14 : vector<1x1024x128xf32> to vector<1024x128xf32>
    %add3A_16 = arith.addf %squeeze3A_13, %squeeze3A_15 : vector<1024x128xf32>
    %get3A_17 = arith.constant 0 : index
    %get3A_18 = arith.constant 0 : index
    %get3A_19 = vector.load %arg2[%get3A_17, %get3A_18] : memref<1024x128xf32, #tpu.memory_space<vmem>>, vector<1024x128xf32>
    %add3A_20 = arith.addf %add3A_16, %get3A_19 : vector<1024x128xf32>
    %mul3A = vector.broadcast %rsqrt3A : vector<1024x1xf32> to vector<1024x128xf32>
    %mul3A_21 = arith.mulf %mul3A, %add3A_20 : vector<1024x128xf32>
    %get3A_22 = arith.constant 0 : index
    %get3A_23 = arith.constant 0 : index
    %get3A_24 = vector.load %arg5[%get3A_22, %get3A_23] : memref<1x128xf32, #tpu.memory_space<vmem>>, vector<1x128xf32>
    %add3A_25 = vector.broadcast %get3A_24 : vector<1x128xf32> to vector<1024x128xf32>
    %add3A_26 = arith.addf %mul3A_21, %add3A_25 : vector<1024x128xf32>
    %max3A = arith.constant 0.000000e+00 : f32
    %max3A_27 = vector.broadcast %max3A : f32 to vector<1024x128xf32>
    %max3A_28 = arith.maximumf %add3A_26, %max3A_27 : vector<1024x128xf32>
    %get3A_29 = arith.constant 0 : index
    %get3A_30 = arith.constant 0 : index
    %get3A_31 = vector.load %arg4[%get3A_29, %get3A_30] : memref<128x128xf32, #tpu.memory_space<vmem>>, vector<128x128xf32>
    %dot_general3A = arith.constant dense<0.000000e+00> : vector<1024x128xf32>
    %dot_general3A_32 = tpu.matmul %max3A_28, %get3A_31, %dot_general3A {dimension_numbers = #tpu.dot_dimension_numbers<[1], [0], [0], [1], [0, 0, 1, 1], [], []>, precision = #tpu.contract_precision<fp32>, transpose_lhs_hint = false} : vector<1024x128xf32>, vector<128x128xf32>, vector<1024x128xf32> -> vector<1024x128xf32>
    %mul3A_33 = vector.broadcast %rsqrt3A : vector<1024x1xf32> to vector<1024x128xf32>
    %mul3A_34 = arith.mulf %dot_general3A_32, %mul3A_33 : vector<1024x128xf32>
    %swap3A = arith.constant 0 : index
    %swap3A_35 = arith.constant 0 : index
    %swap3A_36 = vector.load %arg6[%swap3A, %swap3A_35] : memref<1024x128xf32, #tpu.memory_space<vmem>>, vector<1024x128xf32>
    tpu.vector_store %arg6[%swap3A, %swap3A_35], %mul3A_34 {strides = array<i32>} : memref<1024x128xf32, #tpu.memory_space<vmem>>, vector<1024x128xf32>,
    return
  }
  func.func @transform_0(%arg0: i32) -> (i32, i32, i32) {
    %c0_i32 = arith.constant 0 : i32
    %c0_i32_0 = arith.constant 0 : i32
    %c0_i32_1 = arith.constant 0 : i32
    return %c0_i32, %arg0, %c0_i32_0 : i32, i32, i32
  }
  func.func @transform_1(%arg0: i32) -> (i32, i32) {
    %c0_i32 = arith.constant 0 : i32
    %c0_i32_0 = arith.constant 0 : i32
    return %arg0, %c0_i32 : i32, i32
  }
  func.func @transform_2(%arg0: i32) -> (i32, i32, i32) {
    %c0_i32 = arith.constant 0 : i32
    %c0_i32_0 = arith.constant 0 : i32
    %c0_i32_1 = arith.constant 0 : i32
    return %c0_i32, %arg0, %c0_i32_0 : i32, i32, i32
  }
  func.func @transform_3(%arg0: i32) -> (i32, i32) {
    %c0_i32 = arith.constant 0 : i32
    %c0_i32_0 = arith.constant 0 : i32
    %c0_i32_1 = arith.constant 0 : i32
    return %c0_i32, %c0_i32_0 : i32, i32
  }
  func.func @transform_4(%arg0: i32) -> (i32, i32) {
    %c0_i32 = arith.constant 0 : i32
    %c0_i32_0 = arith.constant 0 : i32
    %c0_i32_1 = arith.constant 0 : i32
    return %c0_i32, %c0_i32_0 : i32, i32
  }
  func.func @transform_5(%arg0: i32) -> (i32, i32) {
    %c0_i32 = arith.constant 0 : i32
    %c0_i32_0 = arith.constant 0 : i32
    return %arg0, %c0_i32 : i32, i32
  }
}

</mosaic_0001>

<sc_bundles>
// kernel: kernel.11.cloned.1.call-start
scs
__scs_entry_jumppad:
0x0: {  	(pc) =	sbr.rel $0x88, $3  }
0x1: {  	(tag) =	ssettag $0x0;
	lr =	simm.s32 $0x1  }
0x2: {  	[smem:$0x3F9B] =	sst lr;
	_ =	strace $0xD0000000  }
0x3: {  	_ = 	snop  }
0x4: {  	_ = 	snop  }
0x5: {  	_ = 	snop  }
0x6: {  	_ = 	snop  }
0x7: {  	_ = 	snop  }
__scs_overlays_trampoline_lowered:
0x8: {  	[smem:$0x3FAA] =	sst s0  }
0x9: {  	[smem:$0x3FAB] =	sst s1  }
0xa: {  	[smem:$0x3FAC] =	sst s2  }
0xb: {  	[smem:$0x3FAD] =	sst s3  }
0xc: {  	[smem:$0x3FAE] =	sst s4  }
0xd: {  	[smem:$0x3FAF] =	sst s5  }
0xe: {  	[smem:$0x3FB0] =	sst s6  }
0xf: {  	[smem:$0x3FB1] =	sst s7  }
0x10: {  	[smem:$0x3FB2] =	sst s8  }
0x11: {  	[smem:$0x3FB3] =	sst s9;
	s0 =	simm.s32 @!p0 $0x0  }
0x12: {  	s1 =	sld [smem:$0x3F99];
	s0 =	simm.s32 @p0 $0x1  }
0x13: {  	[smem:$0x3FB4] =	sst s0;
	s0 =	simm.s32 @!p1 $0x0  }
0x14: {  	s2 =	sld [smem:$0x3F98];
	s0 =	simm.s32 @p1 $0x1  }
0x15: {  	[smem:$0x3FB5] =	sst s0;
	s0 =	simm.s32 @!p2 $0x0  }
0x16: {  	s3 =	sld [smem:$0x3FDB];
	s0 =	simm.s32 @p2 $0x1  }
0x17: {  	s4 =	simm.s32 $0x1BF5;
	[smem:$0x3FB7] =	sst s0  }
0x18: {  	s0 =	sld [smem:$0x3F9A];
	_ =	swait.ge [sflag:s4], $0x0  }
0x19: {  	s7 =	sld [smem:$0x3F9B]  }
0x1a: {  	s8 =	sadd.s32 $0xFFFFE003, lr  }
0x1b: {  	s9 =	sadd.s32 $0xFFFFFEF7, lr;
	s5 =	simm.s32 $0xFFFFFFFF;
	p2 =	slt.u32 s8, $0xFFFFF086  }
0x1c: {  	p1 =	slt.u32 s9, $0xF7A;
	s5 =	simm.s32 @!p2 $0x0  }
0x1d: {  	s5 =	simm.s32 @p1 $0x1;
	p0 =	seq.s32 s7, s2  }
0x1e: {  	s7 =	smul.u32 @!p0 $0xF7A, s2;
	p2 =	seq.s32 @!p0 s5, $0x0  }
0x1f: {  	s9 =	smul.u32 $0xF7A, s1;
	s8 =	simm.s32 @!p0 $0x1BF5;
	p2 =	por !p2, p0  }
0x20: {  	[sflag:s8] =	ssyncset.s32 @!p0 $0xFFFFF086;
	s6 =	sadd.s32 @!p0 s3, s7;
	s7 =	simm.s32 @!p0 $0x108  }
0x21: {  	s3 =	sadd.s32 s3, s9;
	s6 =	sadd.s32 @!p0 $0x88, s6;
	s7 =	simm.s32 @p2 $0x1082  }
0x22: {  	[simem:s7], [sflag:s8] =	dma.local @!p0 [hbm:s6], $0xF7A  }
0x23: {  	s9 =	sor.u32 $0xD0000000, s2;
	s6 =	simm.s32 $0x108;
	_ =	swait.ge @!p0 [sflag:s8], $0x0  }
0x24: {  	s3 =	sadd.s32 $0x88, s3;
	s6 =	simm.s32 @!p1 $0x1082;
	[sflag:s4] =	ssyncset.s32 $0xFFFFF086  }
0x25: {  	[simem:s6], [sflag:s4] =	dma.local [hbm:s3], $0xF7A  }
0x26: {  	[smem:$0x3F9B] =	sst s1;
	(tag) =	ssettag s2;
	_ =	strace s9  }
0x27: {  	s1 =	sld [smem:$0x3FAB]  }
0x28: {  	s2 =	sld [smem:$0x3FAC]  }
0x29: {  	s4 =	sld [smem:$0x3FAE]  }
0x2a: {  	p0 =	seq.s32 s5, $0x0;
	s5 =	sld [smem:$0x3FAF]  }
0x2b: {  	s6 =	sld [smem:$0x3FB0]  }
0x2c: {  	s7 =	sld [smem:$0x3FB1]  }
0x2d: {  	s3 =	simm.s32 $0x108;
	s8 =	sld [smem:$0x3FB2]  }
0x2e: {  	s3 =	simm.s32 @!p0 $0x1082;
	s9 =	sld [smem:$0x3FB3]  }
0x2f: {  	lr =	sadd.s32 s0, s3;
	s0 =	sld [smem:$0x3FAA]  }
0x30: {  	s3 =	sld [smem:$0x3FAD]  }
0x31: {  	[smem:$0x3FB6] =	sst s10  }
0x32: {  	s10 =	sld [smem:$0x3FB4];
	_ =	sdelay $0x3  }
0x33: {  	p0 =	seq.s32 s10, $0x1;
	s10 =	sld [smem:$0x3FB6];
	_ =	sdelay $0x3  }
0x34: {  	[smem:$0x3FB6] =	sst s10  }
0x35: {  	s10 =	sld [smem:$0x3FB5];
	_ =	sdelay $0x3  }
0x36: {  	p1 =	seq.s32 s10, $0x1;
	s10 =	sld [smem:$0x3FB6];
	_ =	sdelay $0x3  }
0x37: {  	[smem:$0x3FB6] =	sst s10  }
0x38: {  	s10 =	sld [smem:$0x3FB7]  }
0x39: {  	_ = 	snop;
	(pc) =	sbr.ind lr, $3  }
0x3a: {  	_ = 	snop  }
0x3b: {  	_ = 	snop  }
0x3c: {  	p2 =	seq.s32 s10, $0x1;
	s10 =	sld [smem:$0x3FB6]  }
0x3d: {  	_ =	shalt  }
0x3e: {  	_ =	shalt  }
0x3f: {  	_ =	shalt  }
0x40: {  	_ =	shalt  }
0x41: {  	_ =	shalt  }
0x42: {  	_ =	shalt  }
0x43: {  	_ =	shalt  }
0x44: {  	_ =	shalt  }
0x45: {  	_ =	shalt  }
0x46: {  	_ =	shalt  }
0x47: {  	_ =	shalt  }
0x48: {  	_ =	shalt  }
0x49: {  	_ =	shalt  }
0x4a: {  	_ =	shalt  }
0x4b: {  	_ =	shalt  }
0x4c: {  	_ =	shalt  }
0x4d: {  	_ =	shalt  }
0x4e: {  	_ =	shalt  }
0x4f: {  	_ =	shalt  }
0x50: {  	_ =	shalt  }
0x51: {  	_ =	shalt  }
0x52: {  	_ =	shalt  }
0x53: {  	_ =	shalt  }
0x54: {  	_ =	shalt  }
0x55: {  	_ =	shalt  }
0x56: {  	_ =	shalt  }
0x57: {  	_ =	shalt  }
0x58: {  	_ =	shalt  }
0x59: {  	_ =	shalt  }
0x5a: {  	_ =	shalt  }
0x5b: {  	_ =	shalt  }
0x5c: {  	_ =	shalt  }
0x5d: {  	_ =	shalt  }
0x5e: {  	_ =	shalt  }
0x5f: {  	_ =	shalt  }
0x60: {  	_ =	shalt  }
0x61: {  	_ =	shalt  }
0x62: {  	_ =	shalt  }
0x63: {  	_ =	shalt  }
0x64: {  	_ =	shalt  }
0x65: {  	_ =	shalt  }
0x66: {  	_ =	shalt  }
0x67: {  	_ =	shalt  }
0x68: {  	_ =	shalt  }
0x69: {  	_ =	shalt  }
0x6a: {  	_ =	shalt  }
0x6b: {  	_ =	shalt  }
0x6c: {  	_ =	shalt  }
0x6d: {  	_ =	shalt  }
0x6e: {  	_ =	shalt  }
0x6f: {  	_ =	shalt  }
0x70: {  	_ =	shalt  }
0x71: {  	_ =	shalt  }
0x72: {  	_ =	shalt  }
0x73: {  	_ =	shalt  }
0x74: {  	_ =	shalt  }
0x75: {  	_ =	shalt  }
0x76: {  	_ =	shalt  }
0x77: {  	_ =	shalt  }
0x78: {  	_ =	shalt  }
0x79: {  	_ =	shalt  }
0x7a: {  	_ =	shalt  }
0x7b: {  	_ =	shalt  }
0x7c: {  	_ =	shalt  }
0x7d: {  	_ =	shalt  }
0x7e: {  	_ =	shalt  }
0x7f: {  	_ =	shalt  }
0x80: {  	_ =	shalt  }
0x81: {  	_ =	shalt  }
0x82: {  	_ =	shalt  }
0x83: {  	_ =	shalt  }
0x84: {  	_ =	shalt  }
0x85: {  	_ =	shalt  }
0x86: {  	_ =	shalt  }
0x87: {  	_ =	shalt  }
.Lfunc_end0:
.L_simem_size_0:
called_computation.1_lowered:
.L_overlay_start_0:
0x88: {  	s2 =	sld [smem:$0x3FD9]  }
0x89: {  	s3 =	sld [smem:$0x3FFE];
	_ =	sdelay $0x1  }
0x8a: {  	s1 =	srdreg.scid  }
0x8b: {  	s0 =	sand.u32 $0x1, s1  }
0x8c: {  	s17 =	sshll.u32 s0, $0xA;
	s2 =	sadd.s32 s3, s2  }
0x8d: {  	s2 =	sadd.s32 s2, s17  }
0x8e: {  	[smem:$0x3FC2] =	sst s2  }
0x8f: {  	_ = 	snop  }
0x90: {  	s2 =	sld [smem:$0x3FD0];
	(tm) =	ssettm $0x1  }
0x91: {  	s18 =	sld [smem:$0x3FFB];
	_ =	sdelay $0x3  }
0x92: {  	_ =	strace s18  }
0x93: {  	s3 =	sld [smem:$0x3FFC];
	_ =	sdelay $0x3  }
0x94: {  	_ =	strace s3  }
0x95: {  	s3 =	sld [smem:$0x3FFD];
	_ =	sdelay $0x3  }
0x96: {  	_ =	strace s3  }
0x97: {  	_ =	strace $0x8FFFFFFF  }
0x98: {  	s19 =	sld [smem:$0x3FDB];
	_ =	sdelay $0x1  }
0x99: {  	s4 =	simm.s32 $_scs_section_size  }
0x9a: {  	s5 =	simm.s32 $_size__tile_overlayer_lowered;
	s6 =	simm.s32 $_tile_overlayer_lowered  }
0x9b: {  	s22 =	simm.s32 $0x1BFF;
	s21 =	sshll.u32 s6, $0x1;
	s3 =	sadd.s32 s4, s19  }
0x9c: {  	s7 =	simm.s32 $0x0;
	s20 =	sshll.u32 s5, $0x1;
	s5 =	sadd.s32 s21, s3  }
0x9d: {  	[timem:s7], [sflag:s22] =	dma.local [hbm:s5], s20  }
0x9e: {  	_ =	swait.ge [sflag:s22], s20  }
0x9f: {  	s4 =	ssub.s32 $0x0, s20;
	[sflag:s22] =	ssyncset.done $0x0  }
0xa0: {  	[sflag:s22] =	ssyncadd.s32 s4;
	_ =	sdelay $0x1  }
0xa1: {  	s23 =	simm.s32 $0x1B8B  }
0xa2: {  	_ =	swait.ge [sflag:s23], $0x1  }
0xa3: {  	[sflag:s23] =	ssyncset.done $0x0  }
0xa4: {  	s25 =	simm.s32 $0x1B8E;
	s24 =	sld [smem:$0x3FFE];
	[sflag:s23] =	ssyncadd.s32 $0xFFFFFFFF  }
0xa5: {  	s26 =	simm.s32 $execute0_lowered;
	[smem:$0x3FD2] =	sst s25  }
0xa6: {  	s5 =	sshll.u32 s26, $0x1;
	_ =	strace $0x80000049;
	[dreg:$0x1] =	wrdreg $0xFFFFFFFF  }
0xa7: {  	s28 =	simm.s32 $_size_execute0_lowered;
	s3 =	sadd.s32 s3, s5;
	[dreg:$0x0] =	wrdreg $0x0  }
0xa8: {  	s5 =	sshll.u32 s28, $0x1;
	[dreg:$0x2] =	wrdreg s3  }
0xa9: {  	[dreg:$0x3] =	wrdreg s5  }
0xaa: {  	[dreg:$0x4] =	wrdreg $0xC0  }
0xab: {  	_ =	task [dreg:s7], $0x5FFFF  }
0xac: {  	[dreg:$0x1] =	wrdreg $0xFFFFFFFF  }
0xad: {  	[dreg:$0x0] =	wrdreg $0x60  }
0xae: {  	[dreg:$0x2] =	wrdreg s24  }
0xaf: {  	[dreg:$0x3] =	wrdreg s2  }
0xb0: {  	[dreg:$0x4] =	wrdreg $0x82000  }
0xb1: {  	[dreg:$0x5] =	wrdreg $0x9  }
0xb2: {  	_ =	task.clear_ibuf [dreg:s7], $0x6FFFF;
	_ =	strace $0x90000049  }
0xb3: {  	s29 =	simm.s32 $0x9;
	_ =	strace $0x8000004B  }
0xb4: {  	_ =	swait.ge [sflag:s29], $0x1  }
0xb5: {  	[sflag:s29] =	ssyncadd.s32 $0xFFFFFFFF  }
0xb6: {  	_ =	strace $0x9000004B  }
0xb7: {  	_ =	sfence  }
0xb8: {  	s30 =	sld [smem:$0x0];
	_ =	sdelay $0x2  }
0xb9: {  	s31 =	sshll.u32 s1, $0xD;
	s1 =	sshrl.u32 s1, $0x2  }
0xba: {  	s3 =	sand.u32 $0x4000, s31;
	s1 =	sadd.s32 s1, s30  }
0xbb: {  	s0 =	sor.u32 s3, s0;
	s1 =	sshll.u32 s1, $0x11  }
0xbc: {  	s0 =	sor.u32 s1, s0  }
0xbd: {  	s0 =	sadd.s32 $0x8F2B, s0  }
0xbe: {  	[sflag:s0] =	ssyncadd.remote.s32 $0x1  }
0xbf: {  	_ =	sfence.sel $0xFFFF  }
0xc0: {  	[dreg:$0x0] =	wrdreg $0xFFFFFFFF;
	(pc) =	sbr.abs _section_cstart, $3  }
0xc1: {  	[dreg:$0x1] =	wrdreg $0xFFFFFFFF  }
0xc2: {  	_ =	task.clear_ibuf [dreg:s7], $0x2FFFF;
	_ =	strace $0x9FFFFFFF  }
0xc3: {  	(tm) =	ssettm $0x7FFFFFFF  }
tec
execute0_lowered:
.L_overlay_start_1:
0x0: {  	(tag) =	ssettag $0x1  }
0x1: {  	s0 =	rddreg [dreg:$0x0]  }
0x2: {  	s2 =	rddreg [dreg:$0x1]  }
0x3: {  	s3 =	rddreg [dreg:$0x2]  }
0x4: {  	s4 =	simm.s32 $0x0;
	s13 =	stileid.u32;
	s1 =	srdreg.scid  }
0x5: {  	s28 =	simm.s32 $0x1;
	s29 =	simm.s32 $0x2;
	s30 =	simm.s32 $0x3  }
0x6: {  	s31 =	simm.s32 $0x4;
	[smem:$0x7FF] =	sst s4;
	s7 =	smul.u32 $0x2800, s13  }
0x7: {  	s1 =	sand.u32 $0x1, s1;
	s5 =	sadd.s32 $0x84800, s0;
	s17 =	smul.u32 $0x50000, s13  }
0x8: {  	s6 =	sadd.s32 $0x7AA00, s0;
	s20 =	sshll.u32 s13, $0x6;
	s14 =	smul.u32 $0x2780, s13  }
0x9: {  	_ =	strace $0x8000004A;
	s8 =	smul.u32 $0x28000, s1;
	s10 =	sshll.u32 s1, $0x4  }
0xa: {  	s18 =	ssub.s32 $0x2, s1;
	s1 =	smul.u32 $0x27800, s1;
	s10 =	sor.u32 s13, s10  }
0xb: {  	s9 =	sadd.s32 s7, s0;
	s11 =	sshrl.u32 s18, $0x1;
	s12 =	smul.u32 $0x4F0, s10  }
0xc: {  	s7 =	sadd.s32 s7, s8;
	s8 =	sshrl.u32 s17, $0x2;
	s19 =	smul.u32 $0x2780, s10  }
0xd: {  	s9 =	sadd.s32 $0x2A00, s9;
	s1 =	sadd.s32 s14, s1;
	s0 =	sadd.s32 s7, s0  }
0xe: {  	s7 =	ssub.s32 s18, s11;
	s8 =	sadd.s32 s8, s3;
	[dreg:$0x5] =	wrdreg s9  }
0xf: {  	s9 =	sor.u32 $0x1C05, s20;
	s25 =	sadd.s32 $0x80, s1;
	[dreg:$0x4] =	wrdreg s8  }
0x10: {  	s8 =	sshrl.u32 s19, $0x3;
	s21 =	sadd.s32 s6, s12;
	s22 =	sadd.s32 s2, s12  }
0x11: {  	s14 =	sadd.s32 $0xAC800, s0;
	s15 =	smax.u32 s7, $0x1;
	s26 =	sshrl.u32 s25, $0x3  }
0x12: {  	s25 =	simm.s32 $0x180;
	s0 =	simm.s32 $0x0;
	[dreg:$0x6] =	wrdreg s21  }
0x13: {  	[dreg:$0x7] =	wrdreg s22;
	s23 =	sadd.s32 $0x4E0, s8;
	s24 =	sadd.s32 $0x4D0, s8  }
0x14: {  	s8 =	sadd.s32 $0x100, s1;
	s19 =	sadd.s32 s26, s2;
	s20 =	sadd.s32 s26, s6  }
0x15: {  	s21 =	simm.s32 $0x5;
	s22 =	simm.s32 $0x80;
	s26 =	simm.s32 $0x4200  }
0x16: {  	s12 =	sadd.s32 s6, s23;
	s13 =	sadd.s32 s2, s23;
	s16 =	sadd.s32 s6, s24  }
0x17: {  	s17 =	sadd.s32 s2, s24;
	s23 =	simm.s32 $0x200;
	s24 =	simm.s32 $0x100  }
.LBB2_1:
0x18: {  	s1 =	rddreg [dreg:$0x4]  }
0x19: {  	s7 =	rddreg [dreg:$0x5];
	s1 =	sshrl.u32 s1, $0x3  }
0x1a: {  	[spmem:s1], [sflag:s9] =	dma.local [hbm:s7], $0x2800  }
0x1b: {  	_ =	swait.ge [sflag:s21], $0x2800  }
0x1c: {  	[sflag:s21] =	ssyncset.done $0x0  }
0x1d: {  	[sflag:s21] =	ssyncadd.s32 $0xFFFFD800  }
0x1e: {  	[bflag:$0x0] =	sbarrier.arrive $0xFFFF  }
0x1f: {  	s10 =	rddreg [dreg:$0x6]  }
0x20: {  	[tilespmem:s4], [sflag:$0x5] =	stream.linear.gather [hbm4b:s10+s4], $0x80, $0x38;
	[tilespmem:$0x1C200] =	vst v63  }
0x21: {  	_ =	swait.ge [sflag:s21], $0x80  }
0x22: {  	[sflag:s21] =	ssyncset.done $0x0  }
0x23: {  	s11 =	rddreg [dreg:$0x7];
	[sflag:s21] =	ssyncadd.s32 $0xFFFFFF80  }
0x24: {  	[tilespmem:s22], [sflag:$0x5] =	stream.linear.gather [hbm4b:s11+s4], $0x80, $0x38;
	[tilespmem:$0x1C200] =	vst v63  }
0x25: {  	_ =	swait.ge [sflag:s21], $0x80  }
0x26: {  	[sflag:s21] =	ssyncset.done $0x0  }
0x27: {  	[sflag:s21] =	ssyncadd.s32 $0xFFFFFF80  }
0x28: {  	[tilespmem:s23], [sflag:$0x1] =	stream.indirect.gather [hbm4b:s5+s22], $0x80, s4, s22, $0xb8;
	[tilespmem:$0x1C200] =	vst v63  }
0x29: {  	s18 =	sadd.s32 $0x0, s20  }
0x2a: {  	[tilespmem:s24], [sflag:$0x5] =	stream.linear.gather [hbm4b:s18+s4], $0x80, $0x38;
	[tilespmem:$0x1C200] =	vst v63  }
0x2b: {  	_ =	swait.ge [sflag:s21], $0x80  }
0x2c: {  	[sflag:s21] =	ssyncset.done $0x0  }
0x2d: {  	s10 =	sadd.s32 $0x0, s19;
	[sflag:s21] =	ssyncadd.s32 $0xFFFFFF80  }
0x2e: {  	[tilespmem:s25], [sflag:$0x5] =	stream.linear.gather [hbm4b:s10+s4], $0x80, $0x38;
	[tilespmem:$0x1C200] =	vst v63  }
0x2f: {  	_ =	swait.ge [sflag:s21], $0x80  }
0x30: {  	[sflag:s21] =	ssyncset.done $0x0  }
0x31: {  	[sflag:s21] =	ssyncadd.s32 $0xFFFFFF80  }
0x32: {  	[tilespmem:s26], [sflag:$0x2] =	stream.indirect.gather [hbm4b:s5+s22], $0x80, s24, s22, $0xb8;
	[tilespmem:$0x1C200] =	vst v63  }
0x33: {  	_ =	swait.ge [sflag:s28], $0x4000  }
0x34: {  	[sflag:s28] =	ssyncset.done $0x0  }
0x35: {  	s11 =	sshrl.u32 s8, $0x3;
	[sflag:s28] =	ssyncadd.s32 $0xFFFFC000  }
0x36: {  	[spmem:s3] =	stream.indirect.scatter.add.f32 [tilespmem:s23], [sflag:$0x3], $0x80, s22, s22, $0xb8;
	[tilespmem:$0x1C200] =	vst v63  }
0x37: {  	s18 =	sadd.s32 s6, s11  }
0x38: {  	[tilespmem:s4], [sflag:$0x5] =	stream.linear.gather [hbm4b:s18+s4], $0x80, $0x38;
	[tilespmem:$0x1C200] =	vst v63  }
0x39: {  	_ =	swait.ge [sflag:s21], $0x80  }
0x3a: {  	[sflag:s21] =	ssyncset.done $0x0  }
0x3b: {  	[sflag:s21] =	ssyncadd.s32 $0xFFFFFF80  }
0x3c: {  	_ =	swait.ge [sflag:s29], $0x4000  }
0x3d: {  	[sflag:s29] =	ssyncset.done $0x0  }
0x3e: {  	[sflag:s29] =	ssyncadd.s32 $0xFFFFC000  }
0x3f: {  	_ =	swait.ge [sflag:s30], $0x4000  }
0x40: {  	[sflag:s30] =	ssyncset.done $0x0  }
0x41: {  	[sflag:s30] =	ssyncadd.s32 $0xFFFFC000  }
0x42: {  	[spmem:s3] =	stream.indirect.scatter.add.f32 [tilespmem:s26], [sflag:$0x4], $0x80, s25, s22, $0xb8;
	[tilespmem:$0x1C200] =	vst v63  }
0x43: {  	s7 =	sadd.s32 s2, s11  }
0x44: {  	[tilespmem:s22], [sflag:$0x5] =	stream.linear.gather [hbm4b:s7+s4], $0x80, $0x38;
	[tilespmem:$0x1C200] =	vst v63  }
0x45: {  	_ =	swait.ge [sflag:s21], $0x80  }
0x46: {  	[sflag:s21] =	ssyncset.done $0x0  }
0x47: {  	[sflag:s21] =	ssyncadd.s32 $0xFFFFFF80  }
0x48: {  	_ =	swait.ge [sflag:s31], $0x4000  }
0x49: {  	s18 =	smov.u32 s8;
	s7 =	simm.s32 $0x20;
	[sflag:s31] =	ssyncset.done $0x0  }
.LBB2_2:
0x4a: {  	p0 =	sne.s32 s7, $0x4A0;
	[sflag:s31] =	ssyncadd.s32 $0xFFFFC000;
	s18 =	sadd.s32 $0x100, s18  }
0x4b: {  	[tilespmem:s23], [sflag:$0x1] =	stream.indirect.gather [hbm4b:s5+s22], $0x80, s4, s22, $0xb8;
	[tilespmem:$0x1C200] =	vst v63  }
0x4c: {  	s10 =	sadd.s32 s7, s20;
	s11 =	smov.u32 s7;
	s7 =	sadd.s32 $0x20, s7  }
0x4d: {  	[tilespmem:s24], [sflag:$0x5] =	stream.linear.gather [hbm4b:s10+s4], $0x80, $0x38;
	[tilespmem:$0x1C200] =	vst v63  }
0x4e: {  	_ =	swait.ge [sflag:s21], $0x80  }
0x4f: {  	[sflag:s21] =	ssyncset.done $0x0  }
0x50: {  	s10 =	sadd.s32 s11, s19;
	[sflag:s21] =	ssyncadd.s32 $0xFFFFFF80  }
0x51: {  	[tilespmem:s25], [sflag:$0x5] =	stream.linear.gather [hbm4b:s10+s4], $0x80, $0x38;
	[tilespmem:$0x1C200] =	vst v63  }
0x52: {  	_ =	swait.ge [sflag:s21], $0x80  }
0x53: {  	[sflag:s21] =	ssyncset.done $0x0  }
0x54: {  	[sflag:s21] =	ssyncadd.s32 $0xFFFFFF80  }
0x55: {  	[tilespmem:s26], [sflag:$0x2] =	stream.indirect.gather [hbm4b:s5+s22], $0x80, s24, s22, $0xb8;
	[tilespmem:$0x1C200] =	vst v63  }
0x56: {  	_ =	swait.ge [sflag:s28], $0x4000  }
0x57: {  	[sflag:s28] =	ssyncset.done $0x0  }
0x58: {  	s10 =	sshrl.u32 s18, $0x3;
	[sflag:s28] =	ssyncadd.s32 $0xFFFFC000  }
0x59: {  	[spmem:s3] =	stream.indirect.scatter.add.f32 [tilespmem:s23], [sflag:$0x3], $0x80, s22, s22, $0xb8;
	[tilespmem:$0x1C200] =	vst v63  }
0x5a: {  	s11 =	sadd.s32 s6, s10  }
0x5b: {  	[tilespmem:s4], [sflag:$0x5] =	stream.linear.gather [hbm4b:s11+s4], $0x80, $0x38;
	[tilespmem:$0x1C200] =	vst v63  }
0x5c: {  	_ =	swait.ge [sflag:s21], $0x80  }
0x5d: {  	[sflag:s21] =	ssyncset.done $0x0  }
0x5e: {  	[sflag:s21] =	ssyncadd.s32 $0xFFFFFF80  }
0x5f: {  	_ =	swait.ge [sflag:s29], $0x4000  }
0x60: {  	[sflag:s29] =	ssyncset.done $0x0  }
0x61: {  	[sflag:s29] =	ssyncadd.s32 $0xFFFFC000  }
0x62: {  	_ =	swait.ge [sflag:s30], $0x4000  }
0x63: {  	[sflag:s30] =	ssyncset.done $0x0  }
0x64: {  	[sflag:s30] =	ssyncadd.s32 $0xFFFFC000  }
0x65: {  	[spmem:s3] =	stream.indirect.scatter.add.f32 [tilespmem:s26], [sflag:$0x4], $0x80, s25, s22, $0xb8;
	[tilespmem:$0x1C200] =	vst v63  }
0x66: {  	s10 =	sadd.s32 s2, s10  }
0x67: {  	[tilespmem:s22], [sflag:$0x5] =	stream.linear.gather [hbm4b:s10+s4], $0x80, $0x38;
	[tilespmem:$0x1C200] =	vst v63  }
.Ltmp0:
0x68: {  	_ =	swait.ge [sflag:s21], $0x80;
	(pc) =	sbr.rel @p0 .LBB2_2-.Ltmp0, $4  }
0x69: {  	[sflag:s21] =	ssyncset.done $0x0  }
0x6a: {  	[sflag:s21] =	ssyncadd.s32 $0xFFFFFF80  }
0x6b: {  	_ =	swait.ge [sflag:s31], $0x4000  }
0x6c: {  	[sflag:s31] =	ssyncset.done $0x0  }
0x6d: {  	[sflag:s31] =	ssyncadd.s32 $0xFFFFC000  }
0x6e: {  	[tilespmem:s23], [sflag:$0x1] =	stream.indirect.gather [hbm4b:s5+s22], $0x80, s4, s22, $0xb8;
	[tilespmem:$0x1C200] =	vst v63  }
0x6f: {  	_ = 	snop  }
0x70: {  	[tilespmem:s24], [sflag:$0x5] =	stream.linear.gather [hbm4b:s16+s4], $0x80, $0x38;
	[tilespmem:$0x1C200] =	vst v63  }
0x71: {  	_ =	swait.ge [sflag:s21], $0x80  }
0x72: {  	[sflag:s21] =	ssyncset.done $0x0  }
0x73: {  	[sflag:s21] =	ssyncadd.s32 $0xFFFFFF80  }
0x74: {  	[tilespmem:s25], [sflag:$0x5] =	stream.linear.gather [hbm4b:s17+s4], $0x80, $0x38;
	[tilespmem:$0x1C200] =	vst v63  }
0x75: {  	_ =	swait.ge [sflag:s21], $0x80  }
0x76: {  	[sflag:s21] =	ssyncset.done $0x0  }
0x77: {  	[sflag:s21] =	ssyncadd.s32 $0xFFFFFF80  }
0x78: {  	[tilespmem:s26], [sflag:$0x2] =	stream.indirect.gather [hbm4b:s5+s22], $0x80, s24, s22, $0xb8;
	[tilespmem:$0x1C200] =	vst v63  }
0x79: {  	_ =	swait.ge [sflag:s28], $0x4000  }
0x7a: {  	[sflag:s28] =	ssyncset.done $0x0  }
0x7b: {  	[sflag:s28] =	ssyncadd.s32 $0xFFFFC000  }
0x7c: {  	[spmem:s3] =	stream.indirect.scatter.add.f32 [tilespmem:s23], [sflag:$0x3], $0x80, s22, s22, $0xb8;
	[tilespmem:$0x1C200] =	vst v63  }
0x7d: {  	_ =	swait.ge [sflag:s29], $0x4000  }
0x7e: {  	[sflag:s29] =	ssyncset.done $0x0  }
0x7f: {  	[sflag:s29] =	ssyncadd.s32 $0xFFFFC000  }
0x80: {  	_ =	swait.ge [sflag:s30], $0x4000  }
0x81: {  	[sflag:s30] =	ssyncset.done $0x0  }
0x82: {  	[sflag:s30] =	ssyncadd.s32 $0xFFFFC000  }
0x83: {  	[spmem:s3] =	stream.indirect.scatter.add.f32 [tilespmem:s26], [sflag:$0x4], $0x80, s25, s22, $0xb8;
	[tilespmem:$0x1C200] =	vst v63  }
0x84: {  	_ =	swait.ge [sflag:s31], $0x4000  }
0x85: {  	[sflag:s31] =	ssyncset.done $0x0  }
0x86: {  	[sflag:s31] =	ssyncadd.s32 $0xFFFFC000  }
0x87: {  	[tilespmem:s4], [sflag:$0x5] =	stream.linear.gather [hbm4b:s12+s4], $0x80, $0x38;
	[tilespmem:$0x1C200] =	vst v63  }
0x88: {  	_ =	swait.ge [sflag:s21], $0x80  }
0x89: {  	[sflag:s21] =	ssyncset.done $0x0  }
0x8a: {  	[sflag:s21] =	ssyncadd.s32 $0xFFFFFF80  }
0x8b: {  	[tilespmem:s22], [sflag:$0x5] =	stream.linear.gather [hbm4b:s13+s4], $0x80, $0x38;
	[tilespmem:$0x1C200] =	vst v63  }
0x8c: {  	_ =	swait.ge [sflag:s21], $0x80  }
0x8d: {  	[sflag:s21] =	ssyncset.done $0x0  }
0x8e: {  	[sflag:s21] =	ssyncadd.s32 $0xFFFFFF80  }
0x8f: {  	[tilespmem:s23], [sflag:$0x1] =	stream.indirect.gather [hbm4b:s5+s22], $0x80, s4, s22, $0xb8;
	[tilespmem:$0x1C200] =	vst v63  }
0x90: {  	_ =	swait.ge [sflag:s28], $0x4000  }
0x91: {  	[sflag:s28] =	ssyncset.done $0x0  }
0x92: {  	[sflag:s28] =	ssyncadd.s32 $0xFFFFC000  }
0x93: {  	[spmem:s3] =	stream.indirect.scatter.add.f32 [tilespmem:s23], [sflag:$0x5], $0x80, s22, s22, $0xb8;
	[tilespmem:$0x1C200] =	vst v63  }
0x94: {  	_ =	swait.ge [sflag:s21], $0x4000  }
0x95: {  	s0 =	sadd.s32 $0x1, s0;
	[sflag:s21] =	ssyncset.done $0x0  }
0x96: {  	p0 =	sne.s32 s0, s15;
	[sflag:s21] =	ssyncadd.s32 $0xFFFFC000  }
.Ltmp1:
0x97: {  	[bflag:$0x0] =	sbarrier.arrive $0xFFFF;
	(pc) =	sbr.rel @p0 .LBB2_1-.Ltmp1, $4  }
0x98: {  	[hbm:s14], [sflag:s9] =	dma.local [spmem:s1], $0x2800  }
0x99: {  	_ =	swait.ge [sflag:s21], $0x2800  }
0x9a: {  	[sflag:s21] =	ssyncset.done $0x0  }
0x9b: {  	[sflag:s21] =	ssyncadd.s32 $0xFFFFD800  }
0x9c: {  	_ =	sfence.sel $0x180000  }
0x9d: {  	[bflag:$0x0] =	sbarrier.arrive $0xFFFF  }
0x9e: {  	_ =	strace $0x9000004A  }
0x9f: {  	s0 =	stileid.u32;
	[bflag:$0x2] =	sbarrier.arrive $0xFFFF  }
0xa0: {  	p0 =	sne.s32 s0, $0x0;
	s0 =	rddreg [dreg:$0x3]  }
0xa1: {  	s0 =	sadd.s32 @!p0 $0x100000, s0  }
0xa2: {  	[sflag:s0] =	ssyncadd.tile.s32 @!p0 $0x1;
	_ =	shalt  }
.Lfunc_end2:
_tile_overlayer_lowered:
.L_overlay_start_2:
0xa3: {  	(tag) =	ssettag $0x2  }
0xa4: {  	s0 =	rddreg [dreg:$0x0];
	s2 =	stileid.u32  }
0xa5: {  	s1 =	rddreg [dreg:$0x1];
	p0 =	sne.s32 s2, $0x0  }
0xa6: {  	s3 =	rddreg [dreg:$0x2];
	[bflag:$0x3] =	sbarrier.arrive $0xFFFF;
	s2 =	simm.s32 @!p0 $0x1C05  }
0xa7: {  	[timem:s3], [sflag:s2] =	dma.local @!p0 [hbm:s0], s1  }
0xa8: {  	s0 =	simm.s32 @!p0 $0x5  }
0xa9: {  	_ =	swait.ge @!p0 [sflag:s0], s1  }
0xaa: {  	s1 =	ssub.s32 @!p0 $0x0, s1;
	[sflag:s0] =	ssyncset.done @!p0 $0x0  }
0xab: {  	[sflag:s0] =	ssyncadd.s32 @!p0 s1  }
0xac: {  	[bflag:$0x3] =	sbarrier.arrive $0xFFFF  }
0xad: {  	_ =	shalt  }

// kernel: kernel.14.cloned.1.call-start
scs
__scs_entry_jumppad:
0x0: {  	(pc) =	sbr.rel $0x88, $3  }
0x1: {  	(tag) =	ssettag $0x0;
	lr =	simm.s32 $0x1  }
0x2: {  	[smem:$0x3F9B] =	sst lr;
	_ =	strace $0xD0000000  }
0x3: {  	_ = 	snop  }
0x4: {  	_ = 	snop  }
0x5: {  	_ = 	snop  }
0x6: {  	_ = 	snop  }
0x7: {  	_ = 	snop  }
__scs_overlays_trampoline_lowered:
0x8: {  	[smem:$0x3FAA] =	sst s0  }
0x9: {  	[smem:$0x3FAB] =	sst s1  }
0xa: {  	[smem:$0x3FAC] =	sst s2  }
0xb: {  	[smem:$0x3FAD] =	sst s3  }
0xc: {  	[smem:$0x3FAE] =	sst s4  }
0xd: {  	[smem:$0x3FAF] =	sst s5  }
0xe: {  	[smem:$0x3FB0] =	sst s6  }
0xf: {  	[smem:$0x3FB1] =	sst s7  }
0x10: {  	[smem:$0x3FB2] =	sst s8  }
0x11: {  	[smem:$0x3FB3] =	sst s9;
	s0 =	simm.s32 @!p0 $0x0  }
0x12: {  	s1 =	sld [smem:$0x3F99];
	s0 =	simm.s32 @p0 $0x1  }
0x13: {  	[smem:$0x3FB4] =	sst s0;
	s0 =	simm.s32 @!p1 $0x0  }
0x14: {  	s2 =	sld [smem:$0x3F98];
	s0 =	simm.s32 @p1 $0x1  }
0x15: {  	[smem:$0x3FB5] =	sst s0;
	s0 =	simm.s32 @!p2 $0x0  }
0x16: {  	s3 =	sld [smem:$0x3FDB];
	s0 =	simm.s32 @p2 $0x1  }
0x17: {  	s4 =	simm.s32 $0x1BF5;
	[smem:$0x3FB7] =	sst s0  }
0x18: {  	s0 =	sld [smem:$0x3F9A];
	_ =	swait.ge [sflag:s4], $0x0  }
0x19: {  	s7 =	sld [smem:$0x3F9B]  }
0x1a: {  	s8 =	sadd.s32 $0xFFFFE003, lr  }
0x1b: {  	s9 =	sadd.s32 $0xFFFFFEF7, lr;
	s5 =	simm.s32 $0xFFFFFFFF;
	p2 =	slt.u32 s8, $0xFFFFF086  }
0x1c: {  	p1 =	slt.u32 s9, $0xF7A;
	s5 =	simm.s32 @!p2 $0x0  }
0x1d: {  	s5 =	simm.s32 @p1 $0x1;
	p0 =	seq.s32 s7, s2  }
0x1e: {  	s7 =	smul.u32 @!p0 $0xF7A, s2;
	p2 =	seq.s32 @!p0 s5, $0x0  }
0x1f: {  	s9 =	smul.u32 $0xF7A, s1;
	s8 =	simm.s32 @!p0 $0x1BF5;
	p2 =	por !p2, p0  }
0x20: {  	[sflag:s8] =	ssyncset.s32 @!p0 $0xFFFFF086;
	s6 =	sadd.s32 @!p0 s3, s7;
	s7 =	simm.s32 @!p0 $0x108  }
0x21: {  	s3 =	sadd.s32 s3, s9;
	s6 =	sadd.s32 @!p0 $0x88, s6;
	s7 =	simm.s32 @p2 $0x1082  }
0x22: {  	[simem:s7], [sflag:s8] =	dma.local @!p0 [hbm:s6], $0xF7A  }
0x23: {  	s9 =	sor.u32 $0xD0000000, s2;
	s6 =	simm.s32 $0x108;
	_ =	swait.ge @!p0 [sflag:s8], $0x0  }
0x24: {  	s3 =	sadd.s32 $0x88, s3;
	s6 =	simm.s32 @!p1 $0x1082;
	[sflag:s4] =	ssyncset.s32 $0xFFFFF086  }
0x25: {  	[simem:s6], [sflag:s4] =	dma.local [hbm:s3], $0xF7A  }
0x26: {  	[smem:$0x3F9B] =	sst s1;
	(tag) =	ssettag s2;
	_ =	strace s9  }
0x27: {  	s1 =	sld [smem:$0x3FAB]  }
0x28: {  	s2 =	sld [smem:$0x3FAC]  }
0x29: {  	s4 =	sld [smem:$0x3FAE]  }
0x2a: {  	p0 =	seq.s32 s5, $0x0;
	s5 =	sld [smem:$0x3FAF]  }
0x2b: {  	s6 =	sld [smem:$0x3FB0]  }
0x2c: {  	s7 =	sld [smem:$0x3FB1]  }
0x2d: {  	s3 =	simm.s32 $0x108;
	s8 =	sld [smem:$0x3FB2]  }
0x2e: {  	s3 =	simm.s32 @!p0 $0x1082;
	s9 =	sld [smem:$0x3FB3]  }
0x2f: {  	lr =	sadd.s32 s0, s3;
	s0 =	sld [smem:$0x3FAA]  }
0x30: {  	s3 =	sld [smem:$0x3FAD]  }
0x31: {  	[smem:$0x3FB6] =	sst s10  }
0x32: {  	s10 =	sld [smem:$0x3FB4];
	_ =	sdelay $0x3  }
0x33: {  	p0 =	seq.s32 s10, $0x1;
	s10 =	sld [smem:$0x3FB6];
	_ =	sdelay $0x3  }
0x34: {  	[smem:$0x3FB6] =	sst s10  }
0x35: {  	s10 =	sld [smem:$0x3FB5];
	_ =	sdelay $0x3  }
0x36: {  	p1 =	seq.s32 s10, $0x1;
	s10 =	sld [smem:$0x3FB6];
	_ =	sdelay $0x3  }
0x37: {  	[smem:$0x3FB6] =	sst s10  }
0x38: {  	s10 =	sld [smem:$0x3FB7]  }
0x39: {  	_ = 	snop;
	(pc) =	sbr.ind lr, $3  }
0x3a: {  	_ = 	snop  }
0x3b: {  	_ = 	snop  }
0x3c: {  	p2 =	seq.s32 s10, $0x1;
	s10 =	sld [smem:$0x3FB6]  }
0x3d: {  	_ =	shalt  }
0x3e: {  	_ =	shalt  }
0x3f: {  	_ =	shalt  }
0x40: {  	_ =	shalt  }
0x41: {  	_ =	shalt  }
0x42: {  	_ =	shalt  }
0x43: {  	_ =	shalt  }
0x44: {  	_ =	shalt  }
0x45: {  	_ =	shalt  }
0x46: {  	_ =	shalt  }
0x47: {  	_ =	shalt  }
0x48: {  	_ =	shalt  }
0x49: {  	_ =	shalt  }
0x4a: {  	_ =	shalt  }
0x4b: {  	_ =	shalt  }
0x4c: {  	_ =	shalt  }
0x4d: {  	_ =	shalt  }
0x4e: {  	_ =	shalt  }
0x4f: {  	_ =	shalt  }
0x50: {  	_ =	shalt  }
0x51: {  	_ =	shalt  }
0x52: {  	_ =	shalt  }
0x53: {  	_ =	shalt  }
0x54: {  	_ =	shalt  }
0x55: {  	_ =	shalt  }
0x56: {  	_ =	shalt  }
0x57: {  	_ =	shalt  }
0x58: {  	_ =	shalt  }
0x59: {  	_ =	shalt  }
0x5a: {  	_ =	shalt  }
0x5b: {  	_ =	shalt  }
0x5c: {  	_ =	shalt  }
0x5d: {  	_ =	shalt  }
0x5e: {  	_ =	shalt  }
0x5f: {  	_ =	shalt  }
0x60: {  	_ =	shalt  }
0x61: {  	_ =	shalt  }
0x62: {  	_ =	shalt  }
0x63: {  	_ =	shalt  }
0x64: {  	_ =	shalt  }
0x65: {  	_ =	shalt  }
0x66: {  	_ =	shalt  }
0x67: {  	_ =	shalt  }
0x68: {  	_ =	shalt  }
0x69: {  	_ =	shalt  }
0x6a: {  	_ =	shalt  }
0x6b: {  	_ =	shalt  }
0x6c: {  	_ =	shalt  }
0x6d: {  	_ =	shalt  }
0x6e: {  	_ =	shalt  }
0x6f: {  	_ =	shalt  }
0x70: {  	_ =	shalt  }
0x71: {  	_ =	shalt  }
0x72: {  	_ =	shalt  }
0x73: {  	_ =	shalt  }
0x74: {  	_ =	shalt  }
0x75: {  	_ =	shalt  }
0x76: {  	_ =	shalt  }
0x77: {  	_ =	shalt  }
0x78: {  	_ =	shalt  }
0x79: {  	_ =	shalt  }
0x7a: {  	_ =	shalt  }
0x7b: {  	_ =	shalt  }
0x7c: {  	_ =	shalt  }
0x7d: {  	_ =	shalt  }
0x7e: {  	_ =	shalt  }
0x7f: {  	_ =	shalt  }
0x80: {  	_ =	shalt  }
0x81: {  	_ =	shalt  }
0x82: {  	_ =	shalt  }
0x83: {  	_ =	shalt  }
0x84: {  	_ =	shalt  }
0x85: {  	_ =	shalt  }
0x86: {  	_ =	shalt  }
0x87: {  	_ =	shalt  }
.Lfunc_end0:
.L_simem_size_0:
called_computation.2_lowered:
.L_overlay_start_0:
0x88: {  	s2 =	sld [smem:$0x3FD9]  }
0x89: {  	s3 =	sld [smem:$0x3FFE];
	_ =	sdelay $0x1  }
0x8a: {  	s1 =	srdreg.scid  }
0x8b: {  	s0 =	sand.u32 $0x1, s1  }
0x8c: {  	s17 =	sshll.u32 s0, $0xA;
	s2 =	sadd.s32 s3, s2  }
0x8d: {  	s2 =	sadd.s32 s2, s17  }
0x8e: {  	[smem:$0x3FC2] =	sst s2  }
0x8f: {  	_ = 	snop  }
0x90: {  	s2 =	sld [smem:$0x3FD0];
	(tm) =	ssettm $0x1  }
0x91: {  	s18 =	sld [smem:$0x3FFB];
	_ =	sdelay $0x3  }
0x92: {  	_ =	strace s18  }
0x93: {  	s3 =	sld [smem:$0x3FFC];
	_ =	sdelay $0x3  }
0x94: {  	_ =	strace s3  }
0x95: {  	s3 =	sld [smem:$0x3FFD];
	_ =	sdelay $0x3  }
0x96: {  	_ =	strace s3  }
0x97: {  	_ =	strace $0x8FFFFFFF  }
0x98: {  	s19 =	sld [smem:$0x3FDB];
	_ =	sdelay $0x1  }
0x99: {  	s4 =	simm.s32 $_scs_section_size  }
0x9a: {  	s5 =	simm.s32 $_size__tile_overlayer_lowered;
	s6 =	simm.s32 $_tile_overlayer_lowered  }
0x9b: {  	s22 =	simm.s32 $0x1BFF;
	s21 =	sshll.u32 s6, $0x1;
	s3 =	sadd.s32 s4, s19  }
0x9c: {  	s7 =	simm.s32 $0x0;
	s20 =	sshll.u32 s5, $0x1;
	s5 =	sadd.s32 s21, s3  }
0x9d: {  	[timem:s7], [sflag:s22] =	dma.local [hbm:s5], s20  }
0x9e: {  	_ =	swait.ge [sflag:s22], s20  }
0x9f: {  	s4 =	ssub.s32 $0x0, s20;
	[sflag:s22] =	ssyncset.done $0x0  }
0xa0: {  	[sflag:s22] =	ssyncadd.s32 s4;
	_ =	sdelay $0x1  }
0xa1: {  	s23 =	simm.s32 $0x1B8B  }
0xa2: {  	_ =	swait.ge [sflag:s23], $0x1  }
0xa3: {  	[sflag:s23] =	ssyncset.done $0x0  }
0xa4: {  	s25 =	simm.s32 $0x1B8E;
	s24 =	sld [smem:$0x3FFE];
	[sflag:s23] =	ssyncadd.s32 $0xFFFFFFFF  }
0xa5: {  	s26 =	simm.s32 $execute0_lowered;
	[smem:$0x3FD2] =	sst s25  }
0xa6: {  	s5 =	sshll.u32 s26, $0x1;
	_ =	strace $0x8000004C;
	[dreg:$0x1] =	wrdreg $0xFFFFFFFF  }
0xa7: {  	s28 =	simm.s32 $_size_execute0_lowered;
	s3 =	sadd.s32 s3, s5;
	[dreg:$0x0] =	wrdreg $0x0  }
0xa8: {  	s5 =	sshll.u32 s28, $0x1;
	[dreg:$0x2] =	wrdreg s3  }
0xa9: {  	[dreg:$0x3] =	wrdreg s5  }
0xaa: {  	[dreg:$0x4] =	wrdreg $0xC0  }
0xab: {  	_ =	task [dreg:s7], $0x5FFFF  }
0xac: {  	[dreg:$0x1] =	wrdreg $0xFFFFFFFF  }
0xad: {  	[dreg:$0x0] =	wrdreg $0x60  }
0xae: {  	[dreg:$0x2] =	wrdreg s24  }
0xaf: {  	[dreg:$0x3] =	wrdreg s2  }
0xb0: {  	[dreg:$0x4] =	wrdreg $0x82000  }
0xb1: {  	[dreg:$0x5] =	wrdreg $0x9  }
0xb2: {  	_ =	task.clear_ibuf [dreg:s7], $0x6FFFF;
	_ =	strace $0x9000004C  }
0xb3: {  	s29 =	simm.s32 $0x9;
	_ =	strace $0x8000004E  }
0xb4: {  	_ =	swait.ge [sflag:s29], $0x1  }
0xb5: {  	[sflag:s29] =	ssyncadd.s32 $0xFFFFFFFF  }
0xb6: {  	_ =	strace $0x9000004E  }
0xb7: {  	_ =	sfence  }
0xb8: {  	s30 =	sld [smem:$0x0];
	_ =	sdelay $0x2  }
0xb9: {  	s31 =	sshll.u32 s1, $0xD;
	s1 =	sshrl.u32 s1, $0x2  }
0xba: {  	s3 =	sand.u32 $0x4000, s31;
	s1 =	sadd.s32 s1, s30  }
0xbb: {  	s0 =	sor.u32 s3, s0;
	s1 =	sshll.u32 s1, $0x11  }
0xbc: {  	s0 =	sor.u32 s1, s0  }
0xbd: {  	s0 =	sadd.s32 $0x8F2B, s0  }
0xbe: {  	[sflag:s0] =	ssyncadd.remote.s32 $0x1  }
0xbf: {  	_ =	sfence.sel $0xFFFF  }
0xc0: {  	[dreg:$0x0] =	wrdreg $0xFFFFFFFF;
	(pc) =	sbr.abs _section_cstart, $3  }
0xc1: {  	[dreg:$0x1] =	wrdreg $0xFFFFFFFF  }
0xc2: {  	_ =	task.clear_ibuf [dreg:s7], $0x2FFFF;
	_ =	strace $0x9FFFFFFF  }
0xc3: {  	(tm) =	ssettm $0x7FFFFFFF  }
tec
execute0_lowered:
.L_overlay_start_1:
0x0: {  	(tag) =	ssettag $0x1  }
0x1: {  	s0 =	rddreg [dreg:$0x0]  }
0x2: {  	s2 =	rddreg [dreg:$0x1]  }
0x3: {  	s3 =	rddreg [dreg:$0x2]  }
0x4: {  	s4 =	simm.s32 $0x0;
	s13 =	stileid.u32;
	s1 =	srdreg.scid  }
0x5: {  	s28 =	simm.s32 $0x1;
	s29 =	simm.s32 $0x2;
	s30 =	simm.s32 $0x3  }
0x6: {  	s31 =	simm.s32 $0x4;
	[smem:$0x7FF] =	sst s4;
	s7 =	smul.u32 $0x2800, s13  }
0x7: {  	s1 =	sand.u32 $0x1, s1;
	s5 =	sadd.s32 $0x84800, s0;
	s17 =	smul.u32 $0x50000, s13  }
0x8: {  	s6 =	sadd.s32 $0x7AA00, s0;
	s20 =	sshll.u32 s13, $0x6;
	s14 =	smul.u32 $0x2780, s13  }
0x9: {  	_ =	strace $0x8000004D;
	s8 =	smul.u32 $0x28000, s1;
	s10 =	sshll.u32 s1, $0x4  }
0xa: {  	s18 =	ssub.s32 $0x2, s1;
	s1 =	smul.u32 $0x27800, s1;
	s10 =	sor.u32 s13, s10  }
0xb: {  	s9 =	sadd.s32 s7, s0;
	s11 =	sshrl.u32 s18, $0x1;
	s12 =	smul.u32 $0x4F0, s10  }
0xc: {  	s7 =	sadd.s32 s7, s8;
	s8 =	sshrl.u32 s17, $0x2;
	s19 =	smul.u32 $0x2780, s10  }
0xd: {  	s9 =	sadd.s32 $0x2A00, s9;
	s1 =	sadd.s32 s14, s1;
	s0 =	sadd.s32 s7, s0  }
0xe: {  	s7 =	ssub.s32 s18, s11;
	s8 =	sadd.s32 s8, s3;
	[dreg:$0x5] =	wrdreg s9  }
0xf: {  	s9 =	sor.u32 $0x1C05, s20;
	s25 =	sadd.s32 $0x80, s1;
	[dreg:$0x4] =	wrdreg s8  }
0x10: {  	s8 =	sshrl.u32 s19, $0x3;
	s21 =	sadd.s32 s6, s12;
	s22 =	sadd.s32 s2, s12  }
0x11: {  	s14 =	sadd.s32 $0xAC800, s0;
	s15 =	smax.u32 s7, $0x1;
	s26 =	sshrl.u32 s25, $0x3  }
0x12: {  	s25 =	simm.s32 $0x180;
	s0 =	simm.s32 $0x0;
	[dreg:$0x6] =	wrdreg s21  }
0x13: {  	[dreg:$0x7] =	wrdreg s22;
	s23 =	sadd.s32 $0x4E0, s8;
	s24 =	sadd.s32 $0x4D0, s8  }
0x14: {  	s8 =	sadd.s32 $0x100, s1;
	s19 =	sadd.s32 s26, s2;
	s20 =	sadd.s32 s26, s6  }
0x15: {  	s21 =	simm.s32 $0x5;
	s22 =	simm.s32 $0x80;
	s26 =	simm.s32 $0x4200  }
0x16: {  	s12 =	sadd.s32 s6, s23;
	s13 =	sadd.s32 s2, s23;
	s16 =	sadd.s32 s6, s24  }
0x17: {  	s17 =	sadd.s32 s2, s24;
	s23 =	simm.s32 $0x200;
	s24 =	simm.s32 $0x100  }
.LBB2_1:
0x18: {  	s1 =	rddreg [dreg:$0x4]  }
0x19: {  	s7 =	rddreg [dreg:$0x5];
	s1 =	sshrl.u32 s1, $0x3  }
0x1a: {  	[spmem:s1], [sflag:s9] =	dma.local [hbm:s7], $0x2800  }
0x1b: {  	_ =	swait.ge [sflag:s21], $0x2800  }
0x1c: {  	[sflag:s21] =	ssyncset.done $0x0  }
0x1d: {  	[sflag:s21] =	ssyncadd.s32 $0xFFFFD800  }
0x1e: {  	[bflag:$0x0] =	sbarrier.arrive $0xFFFF  }
0x1f: {  	s10 =	rddreg [dreg:$0x6]  }
0x20: {  	[tilespmem:s4], [sflag:$0x5] =	stream.linear.gather [hbm4b:s10+s4], $0x80, $0x38;
	[tilespmem:$0x1C200] =	vst v63  }
0x21: {  	_ =	swait.ge [sflag:s21], $0x80  }
0x22: {  	[sflag:s21] =	ssyncset.done $0x0  }
0x23: {  	s11 =	rddreg [dreg:$0x7];
	[sflag:s21] =	ssyncadd.s32 $0xFFFFFF80  }
0x24: {  	[tilespmem:s22], [sflag:$0x5] =	stream.linear.gather [hbm4b:s11+s4], $0x80, $0x38;
	[tilespmem:$0x1C200] =	vst v63  }
0x25: {  	_ =	swait.ge [sflag:s21], $0x80  }
0x26: {  	[sflag:s21] =	ssyncset.done $0x0  }
0x27: {  	[sflag:s21] =	ssyncadd.s32 $0xFFFFFF80  }
0x28: {  	[tilespmem:s23], [sflag:$0x1] =	stream.indirect.gather [hbm4b:s5+s22], $0x80, s4, s22, $0xb8;
	[tilespmem:$0x1C200] =	vst v63  }
0x29: {  	s18 =	sadd.s32 $0x0, s20  }
0x2a: {  	[tilespmem:s24], [sflag:$0x5] =	stream.linear.gather [hbm4b:s18+s4], $0x80, $0x38;
	[tilespmem:$0x1C200] =	vst v63  }
0x2b: {  	_ =	swait.ge [sflag:s21], $0x80  }
0x2c: {  	[sflag:s21] =	ssyncset.done $0x0  }
0x2d: {  	s10 =	sadd.s32 $0x0, s19;
	[sflag:s21] =	ssyncadd.s32 $0xFFFFFF80  }
0x2e: {  	[tilespmem:s25], [sflag:$0x5] =	stream.linear.gather [hbm4b:s10+s4], $0x80, $0x38;
	[tilespmem:$0x1C200] =	vst v63  }
0x2f: {  	_ =	swait.ge [sflag:s21], $0x80  }
0x30: {  	[sflag:s21] =	ssyncset.done $0x0  }
0x31: {  	[sflag:s21] =	ssyncadd.s32 $0xFFFFFF80  }
0x32: {  	[tilespmem:s26], [sflag:$0x2] =	stream.indirect.gather [hbm4b:s5+s22], $0x80, s24, s22, $0xb8;
	[tilespmem:$0x1C200] =	vst v63  }
0x33: {  	_ =	swait.ge [sflag:s28], $0x4000  }
0x34: {  	[sflag:s28] =	ssyncset.done $0x0  }
0x35: {  	s11 =	sshrl.u32 s8, $0x3;
	[sflag:s28] =	ssyncadd.s32 $0xFFFFC000  }
0x36: {  	[spmem:s3] =	stream.indirect.scatter.add.f32 [tilespmem:s23], [sflag:$0x3], $0x80, s22, s22, $0xb8;
	[tilespmem:$0x1C200] =	vst v63  }
0x37: {  	s18 =	sadd.s32 s6, s11  }
0x38: {  	[tilespmem:s4], [sflag:$0x5] =	stream.linear.gather [hbm4b:s18+s4], $0x80, $0x38;
	[tilespmem:$0x1C200] =	vst v63  }
0x39: {  	_ =	swait.ge [sflag:s21], $0x80  }
0x3a: {  	[sflag:s21] =	ssyncset.done $0x0  }
0x3b: {  	[sflag:s21] =	ssyncadd.s32 $0xFFFFFF80  }
0x3c: {  	_ =	swait.ge [sflag:s29], $0x4000  }
0x3d: {  	[sflag:s29] =	ssyncset.done $0x0  }
0x3e: {  	[sflag:s29] =	ssyncadd.s32 $0xFFFFC000  }
0x3f: {  	_ =	swait.ge [sflag:s30], $0x4000  }
0x40: {  	[sflag:s30] =	ssyncset.done $0x0  }
0x41: {  	[sflag:s30] =	ssyncadd.s32 $0xFFFFC000  }
0x42: {  	[spmem:s3] =	stream.indirect.scatter.add.f32 [tilespmem:s26], [sflag:$0x4], $0x80, s25, s22, $0xb8;
	[tilespmem:$0x1C200] =	vst v63  }
0x43: {  	s7 =	sadd.s32 s2, s11  }
0x44: {  	[tilespmem:s22], [sflag:$0x5] =	stream.linear.gather [hbm4b:s7+s4], $0x80, $0x38;
	[tilespmem:$0x1C200] =	vst v63  }
0x45: {  	_ =	swait.ge [sflag:s21], $0x80  }
0x46: {  	[sflag:s21] =	ssyncset.done $0x0  }
0x47: {  	[sflag:s21] =	ssyncadd.s32 $0xFFFFFF80  }
0x48: {  	_ =	swait.ge [sflag:s31], $0x4000  }
0x49: {  	s18 =	smov.u32 s8;
	s7 =	simm.s32 $0x20;
	[sflag:s31] =	ssyncset.done $0x0  }
.LBB2_2:
0x4a: {  	p0 =	sne.s32 s7, $0x4A0;
	[sflag:s31] =	ssyncadd.s32 $0xFFFFC000;
	s18 =	sadd.s32 $0x100, s18  }
0x4b: {  	[tilespmem:s23], [sflag:$0x1] =	stream.indirect.gather [hbm4b:s5+s22], $0x80, s4, s22, $0xb8;
	[tilespmem:$0x1C200] =	vst v63  }
0x4c: {  	s10 =	sadd.s32 s7, s20;
	s11 =	smov.u32 s7;
	s7 =	sadd.s32 $0x20, s7  }
0x4d: {  	[tilespmem:s24], [sflag:$0x5] =	stream.linear.gather [hbm4b:s10+s4], $0x80, $0x38;
	[tilespmem:$0x1C200] =	vst v63  }
0x4e: {  	_ =	swait.ge [sflag:s21], $0x80  }
0x4f: {  	[sflag:s21] =	ssyncset.done $0x0  }
0x50: {  	s10 =	sadd.s32 s11, s19;
	[sflag:s21] =	ssyncadd.s32 $0xFFFFFF80  }
0x51: {  	[tilespmem:s25], [sflag:$0x5] =	stream.linear.gather [hbm4b:s10+s4], $0x80, $0x38;
	[tilespmem:$0x1C200] =	vst v63  }
0x52: {  	_ =	swait.ge [sflag:s21], $0x80  }
0x53: {  	[sflag:s21] =	ssyncset.done $0x0  }
0x54: {  	[sflag:s21] =	ssyncadd.s32 $0xFFFFFF80  }
0x55: {  	[tilespmem:s26], [sflag:$0x2] =	stream.indirect.gather [hbm4b:s5+s22], $0x80, s24, s22, $0xb8;
	[tilespmem:$0x1C200] =	vst v63  }
0x56: {  	_ =	swait.ge [sflag:s28], $0x4000  }
0x57: {  	[sflag:s28] =	ssyncset.done $0x0  }
0x58: {  	s10 =	sshrl.u32 s18, $0x3;
	[sflag:s28] =	ssyncadd.s32 $0xFFFFC000  }
0x59: {  	[spmem:s3] =	stream.indirect.scatter.add.f32 [tilespmem:s23], [sflag:$0x3], $0x80, s22, s22, $0xb8;
	[tilespmem:$0x1C200] =	vst v63  }
0x5a: {  	s11 =	sadd.s32 s6, s10  }
0x5b: {  	[tilespmem:s4], [sflag:$0x5] =	stream.linear.gather [hbm4b:s11+s4], $0x80, $0x38;
	[tilespmem:$0x1C200] =	vst v63  }
0x5c: {  	_ =	swait.ge [sflag:s21], $0x80  }
0x5d: {  	[sflag:s21] =	ssyncset.done $0x0  }
0x5e: {  	[sflag:s21] =	ssyncadd.s32 $0xFFFFFF80  }
0x5f: {  	_ =	swait.ge [sflag:s29], $0x4000  }
0x60: {  	[sflag:s29] =	ssyncset.done $0x0  }
0x61: {  	[sflag:s29] =	ssyncadd.s32 $0xFFFFC000  }
0x62: {  	_ =	swait.ge [sflag:s30], $0x4000  }
0x63: {  	[sflag:s30] =	ssyncset.done $0x0  }
0x64: {  	[sflag:s30] =	ssyncadd.s32 $0xFFFFC000  }
0x65: {  	[spmem:s3] =	stream.indirect.scatter.add.f32 [tilespmem:s26], [sflag:$0x4], $0x80, s25, s22, $0xb8;
	[tilespmem:$0x1C200] =	vst v63  }
0x66: {  	s10 =	sadd.s32 s2, s10  }
0x67: {  	[tilespmem:s22], [sflag:$0x5] =	stream.linear.gather [hbm4b:s10+s4], $0x80, $0x38;
	[tilespmem:$0x1C200] =	vst v63  }
.Ltmp0:
0x68: {  	_ =	swait.ge [sflag:s21], $0x80;
	(pc) =	sbr.rel @p0 .LBB2_2-.Ltmp0, $4  }
0x69: {  	[sflag:s21] =	ssyncset.done $0x0  }
0x6a: {  	[sflag:s21] =	ssyncadd.s32 $0xFFFFFF80  }
0x6b: {  	_ =	swait.ge [sflag:s31], $0x4000  }
0x6c: {  	[sflag:s31] =	ssyncset.done $0x0  }
0x6d: {  	[sflag:s31] =	ssyncadd.s32 $0xFFFFC000  }
0x6e: {  	[tilespmem:s23], [sflag:$0x1] =	stream.indirect.gather [hbm4b:s5+s22], $0x80, s4, s22, $0xb8;
	[tilespmem:$0x1C200] =	vst v63  }
0x6f: {  	_ = 	snop  }
0x70: {  	[tilespmem:s24], [sflag:$0x5] =	stream.linear.gather [hbm4b:s16+s4], $0x80, $0x38;
	[tilespmem:$0x1C200] =	vst v63  }
0x71: {  	_ =	swait.ge [sflag:s21], $0x80  }
0x72: {  	[sflag:s21] =	ssyncset.done $0x0  }
0x73: {  	[sflag:s21] =	ssyncadd.s32 $0xFFFFFF80  }
0x74: {  	[tilespmem:s25], [sflag:$0x5] =	stream.linear.gather [hbm4b:s17+s4], $0x80, $0x38;
	[tilespmem:$0x1C200] =	vst v63  }
0x75: {  	_ =	swait.ge [sflag:s21], $0x80  }
0x76: {  	[sflag:s21] =	ssyncset.done $0x0  }
0x77: {  	[sflag:s21] =	ssyncadd.s32 $0xFFFFFF80  }
0x78: {  	[tilespmem:s26], [sflag:$0x2] =	stream.indirect.gather [hbm4b:s5+s22], $0x80, s24, s22, $0xb8;
	[tilespmem:$0x1C200] =	vst v63  }
0x79: {  	_ =	swait.ge [sflag:s28], $0x4000  }
0x7a: {  	[sflag:s28] =	ssyncset.done $0x0  }
0x7b: {  	[sflag:s28] =	ssyncadd.s32 $0xFFFFC000  }
0x7c: {  	[spmem:s3] =	stream.indirect.scatter.add.f32 [tilespmem:s23], [sflag:$0x3], $0x80, s22, s22, $0xb8;
	[tilespmem:$0x1C200] =	vst v63  }
0x7d: {  	_ =	swait.ge [sflag:s29], $0x4000  }
0x7e: {  	[sflag:s29] =	ssyncset.done $0x0  }
0x7f: {  	[sflag:s29] =	ssyncadd.s32 $0xFFFFC000  }
0x80: {  	_ =	swait.ge [sflag:s30], $0x4000  }
0x81: {  	[sflag:s30] =	ssyncset.done $0x0  }
0x82: {  	[sflag:s30] =	ssyncadd.s32 $0xFFFFC000  }
0x83: {  	[spmem:s3] =	stream.indirect.scatter.add.f32 [tilespmem:s26], [sflag:$0x4], $0x80, s25, s22, $0xb8;
	[tilespmem:$0x1C200] =	vst v63  }
0x84: {  	_ =	swait.ge [sflag:s31], $0x4000  }
0x85: {  	[sflag:s31] =	ssyncset.done $0x0  }
0x86: {  	[sflag:s31] =	ssyncadd.s32 $0xFFFFC000  }
0x87: {  	[tilespmem:s4], [sflag:$0x5] =	stream.linear.gather [hbm4b:s12+s4], $0x80, $0x38;
	[tilespmem:$0x1C200] =	vst v63  }
0x88: {  	_ =	swait.ge [sflag:s21], $0x80  }
0x89: {  	[sflag:s21] =	ssyncset.done $0x0  }
0x8a: {  	[sflag:s21] =	ssyncadd.s32 $0xFFFFFF80  }
0x8b: {  	[tilespmem:s22], [sflag:$0x5] =	stream.linear.gather [hbm4b:s13+s4], $0x80, $0x38;
	[tilespmem:$0x1C200] =	vst v63  }
0x8c: {  	_ =	swait.ge [sflag:s21], $0x80  }
0x8d: {  	[sflag:s21] =	ssyncset.done $0x0  }
0x8e: {  	[sflag:s21] =	ssyncadd.s32 $0xFFFFFF80  }
0x8f: {  	[tilespmem:s23], [sflag:$0x1] =	stream.indirect.gather [hbm4b:s5+s22], $0x80, s4, s22, $0xb8;
	[tilespmem:$0x1C200] =	vst v63  }
0x90: {  	_ =	swait.ge [sflag:s28], $0x4000  }
0x91: {  	[sflag:s28] =	ssyncset.done $0x0  }
0x92: {  	[sflag:s28] =	ssyncadd.s32 $0xFFFFC000  }
0x93: {  	[spmem:s3] =	stream.indirect.scatter.add.f32 [tilespmem:s23], [sflag:$0x5], $0x80, s22, s22, $0xb8;
	[tilespmem:$0x1C200] =	vst v63  }
0x94: {  	_ =	swait.ge [sflag:s21], $0x4000  }
0x95: {  	s0 =	sadd.s32 $0x1, s0;
	[sflag:s21] =	ssyncset.done $0x0  }
0x96: {  	p0 =	sne.s32 s0, s15;
	[sflag:s21] =	ssyncadd.s32 $0xFFFFC000  }
.Ltmp1:
0x97: {  	[bflag:$0x0] =	sbarrier.arrive $0xFFFF;
	(pc) =	sbr.rel @p0 .LBB2_1-.Ltmp1, $4  }
0x98: {  	[hbm:s14], [sflag:s9] =	dma.local [spmem:s1], $0x2800  }
0x99: {  	_ =	swait.ge [sflag:s21], $0x2800  }
0x9a: {  	[sflag:s21] =	ssyncset.done $0x0  }
0x9b: {  	[sflag:s21] =	ssyncadd.s32 $0xFFFFD800  }
0x9c: {  	_ =	sfence.sel $0x180000  }
0x9d: {  	[bflag:$0x0] =	sbarrier.arrive $0xFFFF  }
0x9e: {  	_ =	strace $0x9000004D  }
0x9f: {  	s0 =	stileid.u32;
	[bflag:$0x2] =	sbarrier.arrive $0xFFFF  }
0xa0: {  	p0 =	sne.s32 s0, $0x0;
	s0 =	rddreg [dreg:$0x3]  }
0xa1: {  	s0 =	sadd.s32 @!p0 $0x100000, s0  }
0xa2: {  	[sflag:s0] =	ssyncadd.tile.s32 @!p0 $0x1;
	_ =	shalt  }
.Lfunc_end2:
_tile_overlayer_lowered:
.L_overlay_start_2:
0xa3: {  	(tag) =	ssettag $0x2  }
0xa4: {  	s0 =	rddreg [dreg:$0x0];
	s2 =	stileid.u32  }
0xa5: {  	s1 =	rddreg [dreg:$0x1];
	p0 =	sne.s32 s2, $0x0  }
0xa6: {  	s3 =	rddreg [dreg:$0x2];
	[bflag:$0x3] =	sbarrier.arrive $0xFFFF;
	s2 =	simm.s32 @!p0 $0x1C05  }
0xa7: {  	[timem:s3], [sflag:s2] =	dma.local @!p0 [hbm:s0], s1  }
0xa8: {  	s0 =	simm.s32 @!p0 $0x5  }
0xa9: {  	_ =	swait.ge @!p0 [sflag:s0], s1  }
0xaa: {  	s1 =	ssub.s32 @!p0 $0x0, s1;
	[sflag:s0] =	ssyncset.done @!p0 $0x0  }
0xab: {  	[sflag:s0] =	ssyncadd.s32 @!p0 s1  }
0xac: {  	[bflag:$0x3] =	sbarrier.arrive $0xFFFF  }
0xad: {  	_ =	shalt  }

// kernel: kernel.8.cloned.1.call-start
scs
__scs_entry_jumppad:
0x0: {  	(pc) =	sbr.rel $0x88, $3  }
0x1: {  	(tag) =	ssettag $0x0;
	lr =	simm.s32 $0x1  }
0x2: {  	[smem:$0x3F9B] =	sst lr;
	_ =	strace $0xD0000000  }
0x3: {  	_ = 	snop  }
0x4: {  	_ = 	snop  }
0x5: {  	_ = 	snop  }
0x6: {  	_ = 	snop  }
0x7: {  	_ = 	snop  }
__scs_overlays_trampoline_lowered:
0x8: {  	[smem:$0x3FAA] =	sst s0  }
0x9: {  	[smem:$0x3FAB] =	sst s1  }
0xa: {  	[smem:$0x3FAC] =	sst s2  }
0xb: {  	[smem:$0x3FAD] =	sst s3  }
0xc: {  	[smem:$0x3FAE] =	sst s4  }
0xd: {  	[smem:$0x3FAF] =	sst s5  }
0xe: {  	[smem:$0x3FB0] =	sst s6  }
0xf: {  	[smem:$0x3FB1] =	sst s7  }
0x10: {  	[smem:$0x3FB2] =	sst s8  }
0x11: {  	[smem:$0x3FB3] =	sst s9;
	s0 =	simm.s32 @!p0 $0x0  }
0x12: {  	s1 =	sld [smem:$0x3F99];
	s0 =	simm.s32 @p0 $0x1  }
0x13: {  	[smem:$0x3FB4] =	sst s0;
	s0 =	simm.s32 @!p1 $0x0  }
0x14: {  	s2 =	sld [smem:$0x3F98];
	s0 =	simm.s32 @p1 $0x1  }
0x15: {  	[smem:$0x3FB5] =	sst s0;
	s0 =	simm.s32 @!p2 $0x0  }
0x16: {  	s3 =	sld [smem:$0x3FDB];
	s0 =	simm.s32 @p2 $0x1  }
0x17: {  	s4 =	simm.s32 $0x1BF5;
	[smem:$0x3FB7] =	sst s0  }
0x18: {  	s0 =	sld [smem:$0x3F9A];
	_ =	swait.ge [sflag:s4], $0x0  }
0x19: {  	s7 =	sld [smem:$0x3F9B]  }
0x1a: {  	s8 =	sadd.s32 $0xFFFFE003, lr  }
0x1b: {  	s9 =	sadd.s32 $0xFFFFFEF7, lr;
	s5 =	simm.s32 $0xFFFFFFFF;
	p2 =	slt.u32 s8, $0xFFFFF086  }
0x1c: {  	p1 =	slt.u32 s9, $0xF7A;
	s5 =	simm.s32 @!p2 $0x0  }
0x1d: {  	s5 =	simm.s32 @p1 $0x1;
	p0 =	seq.s32 s7, s2  }
0x1e: {  	s7 =	smul.u32 @!p0 $0xF7A, s2;
	p2 =	seq.s32 @!p0 s5, $0x0  }
0x1f: {  	s9 =	smul.u32 $0xF7A, s1;
	s8 =	simm.s32 @!p0 $0x1BF5;
	p2 =	por !p2, p0  }
0x20: {  	[sflag:s8] =	ssyncset.s32 @!p0 $0xFFFFF086;
	s6 =	sadd.s32 @!p0 s3, s7;
	s7 =	simm.s32 @!p0 $0x108  }
0x21: {  	s3 =	sadd.s32 s3, s9;
	s6 =	sadd.s32 @!p0 $0x88, s6;
	s7 =	simm.s32 @p2 $0x1082  }
0x22: {  	[simem:s7], [sflag:s8] =	dma.local @!p0 [hbm:s6], $0xF7A  }
0x23: {  	s9 =	sor.u32 $0xD0000000, s2;
	s6 =	simm.s32 $0x108;
	_ =	swait.ge @!p0 [sflag:s8], $0x0  }
0x24: {  	s3 =	sadd.s32 $0x88, s3;
	s6 =	simm.s32 @!p1 $0x1082;
	[sflag:s4] =	ssyncset.s32 $0xFFFFF086  }
0x25: {  	[simem:s6], [sflag:s4] =	dma.local [hbm:s3], $0xF7A  }
0x26: {  	[smem:$0x3F9B] =	sst s1;
	(tag) =	ssettag s2;
	_ =	strace s9  }
0x27: {  	s1 =	sld [smem:$0x3FAB]  }
0x28: {  	s2 =	sld [smem:$0x3FAC]  }
0x29: {  	s4 =	sld [smem:$0x3FAE]  }
0x2a: {  	p0 =	seq.s32 s5, $0x0;
	s5 =	sld [smem:$0x3FAF]  }
0x2b: {  	s6 =	sld [smem:$0x3FB0]  }
0x2c: {  	s7 =	sld [smem:$0x3FB1]  }
0x2d: {  	s3 =	simm.s32 $0x108;
	s8 =	sld [smem:$0x3FB2]  }
0x2e: {  	s3 =	simm.s32 @!p0 $0x1082;
	s9 =	sld [smem:$0x3FB3]  }
0x2f: {  	lr =	sadd.s32 s0, s3;
	s0 =	sld [smem:$0x3FAA]  }
0x30: {  	s3 =	sld [smem:$0x3FAD]  }
0x31: {  	[smem:$0x3FB6] =	sst s10  }
0x32: {  	s10 =	sld [smem:$0x3FB4];
	_ =	sdelay $0x3  }
0x33: {  	p0 =	seq.s32 s10, $0x1;
	s10 =	sld [smem:$0x3FB6];
	_ =	sdelay $0x3  }
0x34: {  	[smem:$0x3FB6] =	sst s10  }
0x35: {  	s10 =	sld [smem:$0x3FB5];
	_ =	sdelay $0x3  }
0x36: {  	p1 =	seq.s32 s10, $0x1;
	s10 =	sld [smem:$0x3FB6];
	_ =	sdelay $0x3  }
0x37: {  	[smem:$0x3FB6] =	sst s10  }
0x38: {  	s10 =	sld [smem:$0x3FB7]  }
0x39: {  	_ = 	snop;
	(pc) =	sbr.ind lr, $3  }
0x3a: {  	_ = 	snop  }
0x3b: {  	_ = 	snop  }
0x3c: {  	p2 =	seq.s32 s10, $0x1;
	s10 =	sld [smem:$0x3FB6]  }
0x3d: {  	_ =	shalt  }
0x3e: {  	_ =	shalt  }
0x3f: {  	_ =	shalt  }
0x40: {  	_ =	shalt  }
0x41: {  	_ =	shalt  }
0x42: {  	_ =	shalt  }
0x43: {  	_ =	shalt  }
0x44: {  	_ =	shalt  }
0x45: {  	_ =	shalt  }
0x46: {  	_ =	shalt  }
0x47: {  	_ =	shalt  }
0x48: {  	_ =	shalt  }
0x49: {  	_ =	shalt  }
0x4a: {  	_ =	shalt  }
0x4b: {  	_ =	shalt  }
0x4c: {  	_ =	shalt  }
0x4d: {  	_ =	shalt  }
0x4e: {  	_ =	shalt  }
0x4f: {  	_ =	shalt  }
0x50: {  	_ =	shalt  }
0x51: {  	_ =	shalt  }
0x52: {  	_ =	shalt  }
0x53: {  	_ =	shalt  }
0x54: {  	_ =	shalt  }
0x55: {  	_ =	shalt  }
0x56: {  	_ =	shalt  }
0x57: {  	_ =	shalt  }
0x58: {  	_ =	shalt  }
0x59: {  	_ =	shalt  }
0x5a: {  	_ =	shalt  }
0x5b: {  	_ =	shalt  }
0x5c: {  	_ =	shalt  }
0x5d: {  	_ =	shalt  }
0x5e: {  	_ =	shalt  }
0x5f: {  	_ =	shalt  }
0x60: {  	_ =	shalt  }
0x61: {  	_ =	shalt  }
0x62: {  	_ =	shalt  }
0x63: {  	_ =	shalt  }
0x64: {  	_ =	shalt  }
0x65: {  	_ =	shalt  }
0x66: {  	_ =	shalt  }
0x67: {  	_ =	shalt  }
0x68: {  	_ =	shalt  }
0x69: {  	_ =	shalt  }
0x6a: {  	_ =	shalt  }
0x6b: {  	_ =	shalt  }
0x6c: {  	_ =	shalt  }
0x6d: {  	_ =	shalt  }
0x6e: {  	_ =	shalt  }
0x6f: {  	_ =	shalt  }
0x70: {  	_ =	shalt  }
0x71: {  	_ =	shalt  }
0x72: {  	_ =	shalt  }
0x73: {  	_ =	shalt  }
0x74: {  	_ =	shalt  }
0x75: {  	_ =	shalt  }
0x76: {  	_ =	shalt  }
0x77: {  	_ =	shalt  }
0x78: {  	_ =	shalt  }
0x79: {  	_ =	shalt  }
0x7a: {  	_ =	shalt  }
0x7b: {  	_ =	shalt  }
0x7c: {  	_ =	shalt  }
0x7d: {  	_ =	shalt  }
0x7e: {  	_ =	shalt  }
0x7f: {  	_ =	shalt  }
0x80: {  	_ =	shalt  }
0x81: {  	_ =	shalt  }
0x82: {  	_ =	shalt  }
0x83: {  	_ =	shalt  }
0x84: {  	_ =	shalt  }
0x85: {  	_ =	shalt  }
0x86: {  	_ =	shalt  }
0x87: {  	_ =	shalt  }
.Lfunc_end0:
.L_simem_size_0:
called_computation_lowered:
.L_overlay_start_0:
0x88: {  	s2 =	sld [smem:$0x3FD9]  }
0x89: {  	s3 =	sld [smem:$0x3FFE];
	_ =	sdelay $0x1  }
0x8a: {  	s1 =	srdreg.scid  }
0x8b: {  	s0 =	sand.u32 $0x1, s1  }
0x8c: {  	s17 =	sshll.u32 s0, $0xA;
	s2 =	sadd.s32 s3, s2  }
0x8d: {  	s2 =	sadd.s32 s2, s17  }
0x8e: {  	[smem:$0x3FC2] =	sst s2  }
0x8f: {  	_ = 	snop  }
0x90: {  	s2 =	sld [smem:$0x3FD0];
	(tm) =	ssettm $0x1  }
0x91: {  	s18 =	sld [smem:$0x3FFB];
	_ =	sdelay $0x3  }
0x92: {  	_ =	strace s18  }
0x93: {  	s3 =	sld [smem:$0x3FFC];
	_ =	sdelay $0x3  }
0x94: {  	_ =	strace s3  }
0x95: {  	s3 =	sld [smem:$0x3FFD];
	_ =	sdelay $0x3  }
0x96: {  	_ =	strace s3  }
0x97: {  	_ =	strace $0x8FFFFFFF  }
0x98: {  	s19 =	sld [smem:$0x3FDB];
	_ =	sdelay $0x1  }
0x99: {  	s4 =	simm.s32 $_scs_section_size  }
0x9a: {  	s5 =	simm.s32 $_size__tile_overlayer_lowered;
	s6 =	simm.s32 $_tile_overlayer_lowered  }
0x9b: {  	s22 =	simm.s32 $0x1BFF;
	s21 =	sshll.u32 s6, $0x1;
	s3 =	sadd.s32 s4, s19  }
0x9c: {  	s7 =	simm.s32 $0x0;
	s20 =	sshll.u32 s5, $0x1;
	s5 =	sadd.s32 s21, s3  }
0x9d: {  	[timem:s7], [sflag:s22] =	dma.local [hbm:s5], s20  }
0x9e: {  	_ =	swait.ge [sflag:s22], s20  }
0x9f: {  	s4 =	ssub.s32 $0x0, s20;
	[sflag:s22] =	ssyncset.done $0x0  }
0xa0: {  	[sflag:s22] =	ssyncadd.s32 s4;
	_ =	sdelay $0x1  }
0xa1: {  	s23 =	simm.s32 $0x1B8B  }
0xa2: {  	_ =	swait.ge [sflag:s23], $0x1  }
0xa3: {  	[sflag:s23] =	ssyncset.done $0x0  }
0xa4: {  	s25 =	simm.s32 $0x1B8E;
	s24 =	sld [smem:$0x3FFE];
	[sflag:s23] =	ssyncadd.s32 $0xFFFFFFFF  }
0xa5: {  	s26 =	simm.s32 $execute0_lowered;
	[smem:$0x3FD2] =	sst s25  }
0xa6: {  	s5 =	sshll.u32 s26, $0x1;
	_ =	strace $0x80000046;
	[dreg:$0x1] =	wrdreg $0xFFFFFFFF  }
0xa7: {  	s28 =	simm.s32 $_size_execute0_lowered;
	s3 =	sadd.s32 s3, s5;
	[dreg:$0x0] =	wrdreg $0x0  }
0xa8: {  	s5 =	sshll.u32 s28, $0x1;
	[dreg:$0x2] =	wrdreg s3  }
0xa9: {  	[dreg:$0x3] =	wrdreg s5  }
0xaa: {  	[dreg:$0x4] =	wrdreg $0xC0  }
0xab: {  	_ =	task [dreg:s7], $0x5FFFF  }
0xac: {  	[dreg:$0x1] =	wrdreg $0xFFFFFFFF  }
0xad: {  	[dreg:$0x0] =	wrdreg $0x60  }
0xae: {  	[dreg:$0x2] =	wrdreg s2  }
0xaf: {  	[dreg:$0x3] =	wrdreg s24  }
0xb0: {  	[dreg:$0x4] =	wrdreg $0x41000  }
0xb1: {  	[dreg:$0x5] =	wrdreg $0x9  }
0xb2: {  	_ =	task.clear_ibuf [dreg:s7], $0x6FFFF;
	_ =	strace $0x90000046  }
0xb3: {  	s29 =	simm.s32 $0x9;
	_ =	strace $0x80000048  }
0xb4: {  	_ =	swait.ge [sflag:s29], $0x1  }
0xb5: {  	[sflag:s29] =	ssyncadd.s32 $0xFFFFFFFF  }
0xb6: {  	_ =	strace $0x90000048  }
0xb7: {  	_ =	sfence  }
0xb8: {  	s30 =	sld [smem:$0x0];
	_ =	sdelay $0x2  }
0xb9: {  	s31 =	sshll.u32 s1, $0xD;
	s1 =	sshrl.u32 s1, $0x2  }
0xba: {  	s3 =	sand.u32 $0x4000, s31;
	s1 =	sadd.s32 s1, s30  }
0xbb: {  	s0 =	sor.u32 s3, s0;
	s1 =	sshll.u32 s1, $0x11  }
0xbc: {  	s0 =	sor.u32 s1, s0  }
0xbd: {  	s0 =	sadd.s32 $0x8F2B, s0  }
0xbe: {  	[sflag:s0] =	ssyncadd.remote.s32 $0x1  }
0xbf: {  	_ =	sfence.sel $0xFFFF  }
0xc0: {  	[dreg:$0x0] =	wrdreg $0xFFFFFFFF;
	(pc) =	sbr.abs _section_cstart, $3  }
0xc1: {  	[dreg:$0x1] =	wrdreg $0xFFFFFFFF  }
0xc2: {  	_ =	task.clear_ibuf [dreg:s7], $0x2FFFF;
	_ =	strace $0x9FFFFFFF  }
0xc3: {  	(tm) =	ssettm $0x7FFFFFFF  }
tec
execute0_lowered:
.L_overlay_start_1:
0x0: {  	(tag) =	ssettag $0x1  }
0x1: {  	s1 =	rddreg [dreg:$0x0]  }
0x2: {  	s6 =	rddreg [dreg:$0x1]  }
0x3: {  	s3 =	rddreg [dreg:$0x2]  }
0x4: {  	s0 =	rddreg [dreg:$0x3];
	s4 =	simm.s32 $0x0  }
0x5: {  	s2 =	stileid.u32;
	s5 =	srdreg.scid;
	s18 =	simm.s32 $0x80  }
0x6: {  	s19 =	simm.s32 $0x1;
	s20 =	simm.s32 $0x2;
	s7 =	smul.u32 $0x2800, s2  }
0x7: {  	s21 =	simm.s32 $0x0;
	[smem:$0x7FF] =	sst s4;
	s12 =	smul.u32 $0x50000, s2  }
0x8: {  	s8 =	sand.u32 $0x1, s5;
	s5 =	sadd.s32 $0x2200, s6;
	s29 =	smul.u32 $0x2780, s2  }
0x9: {  	s28 =	sshll.u32 s2, $0x6;
	_ =	strace $0x80000047;
	s9 =	smul.u32 $0x28000, s8  }
0xa: {  	s10 =	sshll.u32 s8, $0x4;
	s23 =	ssub.s32 $0x2, s8;
	s26 =	smul.u32 $0x27800, s8  }
0xb: {  	s11 =	sadd.s32 s7, s6;
	s10 =	sor.u32 s2, s10;
	s24 =	sshrl.u32 s23, $0x1  }
0xc: {  	s25 =	sshrl.u32 s12, $0x2;
	s7 =	sadd.s32 s7, s9;
	s13 =	smul.u32 $0x4F0, s10  }
0xd: {  	s10 =	smul.u32 $0x2780, s10;
	s15 =	ssub.s32 s23, s24;
	s16 =	sadd.s32 s25, s3  }
0xe: {  	s17 =	sadd.s32 s29, s26;
	s14 =	sadd.s32 s7, s6;
	s6 =	sadd.s32 $0x2A00, s11  }
0xf: {  	s7 =	sor.u32 $0x1C03, s28;
	s31 =	sadd.s32 $0x80, s17;
	s11 =	smax.u32 s15, $0x1  }
0x10: {  	s15 =	sshrl.u32 s16, $0x3;
	s16 =	simm.s32 $0x3;
	s10 =	sshrl.u32 s10, $0x3  }
0x11: {  	s8 =	sadd.s32 s1, s13;
	s13 =	sadd.s32 $0x100, s17;
	s17 =	simm.s32 $0x100  }
0x12: {  	s30 =	sadd.s32 s1, s10;
	s10 =	sadd.s32 $0x2AA00, s14;
	s14 =	sshrl.u32 s31, $0x3  }
0x13: {  	s9 =	sadd.s32 $0x4E0, s30;
	s12 =	sadd.s32 $0x4D0, s30;
	s14 =	sadd.s32 s14, s1  }
.LBB2_1:
0x14: {  	[spmem:s15], [sflag:s7] =	dma.local [hbm:s6], $0x2800  }
0x15: {  	_ =	swait.ge [sflag:s16], $0x2800  }
0x16: {  	[sflag:s16] =	ssyncset.done $0x0  }
0x17: {  	[sflag:s16] =	ssyncadd.s32 $0xFFFFD800  }
0x18: {  	[tilespmem:s17], [sflag:$0x3] =	stream.linear.gather [hbm4b:s5+s4], $0x4000, $0x38;
	[tilespmem:$0x18100] =	vst v63  }
0x19: {  	_ =	swait.ge [sflag:s16], $0x4000  }
0x1a: {  	[sflag:s16] =	ssyncset.done $0x0  }
0x1b: {  	[sflag:s16] =	ssyncadd.s32 $0xFFFFC000  }
0x1c: {  	[bflag:$0x0] =	sbarrier.arrive $0xFFFF  }
0x1d: {  	[tilespmem:s4], [sflag:$0x3] =	stream.linear.gather [hbm4b:s8+s4], $0x80, $0x38;
	[tilespmem:$0x18100] =	vst v63  }
0x1e: {  	_ =	swait.ge [sflag:s16], $0x80  }
0x1f: {  	[sflag:s16] =	ssyncset.done $0x0  }
0x20: {  	[sflag:s16] =	ssyncadd.s32 $0xFFFFFF80  }
0x21: {  	[spmem:s3] =	stream.indirect.scatter.add.f32 [tilespmem:s17], [sflag:$0x1], $0x80, s4, s18, $0xb8;
	[tilespmem:$0x18100] =	vst v63  }
0x22: {  	s22 =	sadd.s32 $0x0, s14  }
0x23: {  	[tilespmem:s18], [sflag:$0x3] =	stream.linear.gather [hbm4b:s22+s4], $0x80, $0x38;
	[tilespmem:$0x18100] =	vst v63  }
0x24: {  	_ =	swait.ge [sflag:s16], $0x80  }
0x25: {  	[sflag:s16] =	ssyncset.done $0x0  }
0x26: {  	[sflag:s16] =	ssyncadd.s32 $0xFFFFFF80  }
0x27: {  	[spmem:s3] =	stream.indirect.scatter.add.f32 [tilespmem:s17], [sflag:$0x2], $0x80, s18, s18, $0xb8;
	[tilespmem:$0x18100] =	vst v63  }
0x28: {  	_ =	swait.ge [sflag:s19], $0x4000  }
0x29: {  	s31 =	sshrl.u32 s13, $0x3;
	[sflag:s19] =	ssyncset.done $0x0  }
0x2a: {  	s22 =	sadd.s32 s1, s31;
	[sflag:s19] =	ssyncadd.s32 $0xFFFFC000  }
0x2b: {  	[tilespmem:s4], [sflag:$0x3] =	stream.linear.gather [hbm4b:s22+s4], $0x80, $0x38;
	[tilespmem:$0x18100] =	vst v63  }
0x2c: {  	_ =	swait.ge [sflag:s16], $0x80  }
0x2d: {  	[sflag:s16] =	ssyncset.done $0x0  }
0x2e: {  	[sflag:s16] =	ssyncadd.s32 $0xFFFFFF80  }
0x2f: {  	_ =	swait.ge [sflag:s20], $0x4000  }
0x30: {  	s23 =	smov.u32 s13;
	s22 =	simm.s32 $0x20;
	[sflag:s20] =	ssyncset.done $0x0  }
.LBB2_2:
0x31: {  	p0 =	sne.s32 s22, $0x4A0;
	[sflag:s20] =	ssyncadd.s32 $0xFFFFC000;
	s23 =	sadd.s32 $0x100, s23  }
0x32: {  	[spmem:s3] =	stream.indirect.scatter.add.f32 [tilespmem:s17], [sflag:$0x1], $0x80, s4, s18, $0xb8;
	[tilespmem:$0x18100] =	vst v63  }
0x33: {  	s24 =	sadd.s32 s22, s14;
	s22 =	sadd.s32 $0x20, s22  }
0x34: {  	[tilespmem:s18], [sflag:$0x3] =	stream.linear.gather [hbm4b:s24+s4], $0x80, $0x38;
	[tilespmem:$0x18100] =	vst v63  }
0x35: {  	_ =	swait.ge [sflag:s16], $0x80  }
0x36: {  	[sflag:s16] =	ssyncset.done $0x0  }
0x37: {  	[sflag:s16] =	ssyncadd.s32 $0xFFFFFF80  }
0x38: {  	[spmem:s3] =	stream.indirect.scatter.add.f32 [tilespmem:s17], [sflag:$0x2], $0x80, s18, s18, $0xb8;
	[tilespmem:$0x18100] =	vst v63  }
0x39: {  	_ =	swait.ge [sflag:s19], $0x4000  }
0x3a: {  	s24 =	sshrl.u32 s23, $0x3;
	[sflag:s19] =	ssyncset.done $0x0  }
0x3b: {  	s24 =	sadd.s32 s1, s24;
	[sflag:s19] =	ssyncadd.s32 $0xFFFFC000  }
0x3c: {  	[tilespmem:s4], [sflag:$0x3] =	stream.linear.gather [hbm4b:s24+s4], $0x80, $0x38;
	[tilespmem:$0x18100] =	vst v63  }
.Ltmp0:
0x3d: {  	_ =	swait.ge [sflag:s16], $0x80;
	(pc) =	sbr.rel @p0 .LBB2_2-.Ltmp0, $4  }
0x3e: {  	[sflag:s16] =	ssyncset.done $0x0  }
0x3f: {  	[sflag:s16] =	ssyncadd.s32 $0xFFFFFF80  }
0x40: {  	_ =	swait.ge [sflag:s20], $0x4000  }
0x41: {  	[sflag:s20] =	ssyncset.done $0x0  }
0x42: {  	[sflag:s20] =	ssyncadd.s32 $0xFFFFC000  }
0x43: {  	[spmem:s3] =	stream.indirect.scatter.add.f32 [tilespmem:s17], [sflag:$0x1], $0x80, s4, s18, $0xb8;
	[tilespmem:$0x18100] =	vst v63  }
0x44: {  	_ = 	snop  }
0x45: {  	[tilespmem:s18], [sflag:$0x3] =	stream.linear.gather [hbm4b:s12+s4], $0x80, $0x38;
	[tilespmem:$0x18100] =	vst v63  }
0x46: {  	_ =	swait.ge [sflag:s16], $0x80  }
0x47: {  	[sflag:s16] =	ssyncset.done $0x0  }
0x48: {  	[sflag:s16] =	ssyncadd.s32 $0xFFFFFF80  }
0x49: {  	[spmem:s3] =	stream.indirect.scatter.add.f32 [tilespmem:s17], [sflag:$0x2], $0x80, s18, s18, $0xb8;
	[tilespmem:$0x18100] =	vst v63  }
0x4a: {  	_ =	swait.ge [sflag:s19], $0x4000  }
0x4b: {  	[sflag:s19] =	ssyncset.done $0x0  }
0x4c: {  	[sflag:s19] =	ssyncadd.s32 $0xFFFFC000  }
0x4d: {  	_ =	swait.ge [sflag:s20], $0x4000  }
0x4e: {  	[sflag:s20] =	ssyncset.done $0x0  }
0x4f: {  	[sflag:s20] =	ssyncadd.s32 $0xFFFFC000  }
0x50: {  	[tilespmem:s4], [sflag:$0x3] =	stream.linear.gather [hbm4b:s9+s4], $0x80, $0x38;
	[tilespmem:$0x18100] =	vst v63  }
0x51: {  	_ =	swait.ge [sflag:s16], $0x80  }
0x52: {  	[sflag:s16] =	ssyncset.done $0x0  }
0x53: {  	[sflag:s16] =	ssyncadd.s32 $0xFFFFFF80  }
0x54: {  	[spmem:s3] =	stream.indirect.scatter.add.f32 [tilespmem:s17], [sflag:$0x3], $0x80, s4, s18, $0xb8;
	[tilespmem:$0x18100] =	vst v63  }
0x55: {  	_ =	swait.ge [sflag:s16], $0x4000  }
0x56: {  	s21 =	sadd.s32 $0x1, s21;
	[sflag:s16] =	ssyncset.done $0x0  }
0x57: {  	p0 =	sne.s32 s21, s11;
	[sflag:s16] =	ssyncadd.s32 $0xFFFFC000  }
.Ltmp1:
0x58: {  	[bflag:$0x0] =	sbarrier.arrive $0xFFFF;
	(pc) =	sbr.rel @p0 .LBB2_1-.Ltmp1, $4  }
0x59: {  	[hbm:s10], [sflag:s7] =	dma.local [spmem:s15], $0x2800  }
0x5a: {  	_ =	swait.ge [sflag:s16], $0x2800  }
0x5b: {  	[sflag:s16] =	ssyncset.done $0x0  }
0x5c: {  	[sflag:s16] =	ssyncadd.s32 $0xFFFFD800  }
0x5d: {  	_ =	sfence.sel $0x180000  }
0x5e: {  	[bflag:$0x0] =	sbarrier.arrive $0xFFFF  }
0x5f: {  	p0 =	sne.s32 s2, $0x0;
	_ =	strace $0x90000047  }
0x60: {  	s0 =	sadd.s32 @!p0 $0x100000, s0;
	[bflag:$0x2] =	sbarrier.arrive $0xFFFF  }
0x61: {  	[sflag:s0] =	ssyncadd.tile.s32 @!p0 $0x1;
	_ =	shalt  }
.Lfunc_end2:
_tile_overlayer_lowered:
.L_overlay_start_2:
0x62: {  	(tag) =	ssettag $0x2  }
0x63: {  	s0 =	rddreg [dreg:$0x0];
	s2 =	stileid.u32  }
0x64: {  	s1 =	rddreg [dreg:$0x1];
	p0 =	sne.s32 s2, $0x0  }
0x65: {  	s3 =	rddreg [dreg:$0x2];
	[bflag:$0x3] =	sbarrier.arrive $0xFFFF;
	s2 =	simm.s32 @!p0 $0x1C03  }
0x66: {  	[timem:s3], [sflag:s2] =	dma.local @!p0 [hbm:s0], s1  }
0x67: {  	s0 =	simm.s32 @!p0 $0x3  }
0x68: {  	_ =	swait.ge @!p0 [sflag:s0], s1  }
0x69: {  	s1 =	ssub.s32 @!p0 $0x0, s1;
	[sflag:s0] =	ssyncset.done @!p0 $0x0  }
0x6a: {  	[sflag:s0] =	ssyncadd.s32 @!p0 s1  }
0x6b: {  	[bflag:$0x3] =	sbarrier.arrive $0xFFFF  }
0x6c: {  	_ =	shalt  }

</sc_bundles>
